<compile_context>
chip_gen: v7x
topology: tpu7x:2x2x1
jax: 0.10.2.dev20260603
libtpu: 0.0.44.dev20260713+nightly
codegen_flags: <defaults>
</compile_context>

<pallas_src>
import functools

import jax
import jax.numpy as jnp
from jax import lax
from jax.experimental import pallas as pl
from jax.experimental.pallas import tpu as pltpu
from jax.experimental.pallas import tpu_sc as plsc

_N = 10000
_D = 128
_DH = _D // 2
_NC = 2
_NS = 16
_NW = _NC * _NS
_CHUNK = 128
_NPAD = 10112
_NBUF = 5
_LEAD = 4
_RPT = _NPAD // _NS


def _sc_mesh():
    return plsc.VectorSubcoreMesh(core_axis_name="c", subcore_axis_name="s")


def _make_sc_deg(epad):
    cpt = epad // (_CHUNK * _NW)

    @functools.partial(
        pl.kernel,
        out_type=jax.ShapeDtypeStruct((_NC, _NPAD, 16), jnp.float32),
        mesh=_sc_mesh(),
        scratch_types=[
            pltpu.VMEM((cpt, _CHUNK), jnp.int32),
            pltpu.VMEM((_CHUNK, 16), jnp.float32),
            pltpu.VMEM((_RPT, 16), jnp.float32),
            pltpu.VMEM_SHARED((_NPAD, 16), jnp.float32),
        ],
        compiler_params=pltpu.CompilerParams(use_tc_tiling_on_sc=False),
    )
    def deg_kernel(dst_hbm, deg_out, dstv, ones_v, zero_v, acc_sh):
        cid = lax.axis_index("c")
        sid = lax.axis_index("s")
        wid = sid * _NC + cid

        def fill_ones(i, _):
            ones_v[i] = jnp.full((16,), 1.0, jnp.float32)
            return 0

        lax.fori_loop(0, _CHUNK, fill_ones, 0)

        def fill_zero(i, _):
            zero_v[i] = jnp.zeros((16,), jnp.float32)
            return 0

        lax.fori_loop(0, _RPT, fill_zero, 0)
        pltpu.sync_copy(zero_v, acc_sh.at[pl.ds(sid * _RPT, _RPT)])
        plsc.subcore_barrier()

        pltpu.sync_copy(dst_hbm.at[pl.ds(wid * cpt, cpt)], dstv)

        def chunk(k, _):
            pltpu.sync_copy(ones_v, acc_sh.at[dstv.at[k]], add=True)
            return 0

        lax.fori_loop(0, cpt, chunk, 0)
        plsc.subcore_barrier()
        pltpu.sync_copy(
            acc_sh.at[pl.ds(sid * _RPT, _RPT)],
            deg_out.at[cid, pl.ds(sid * _RPT, _RPT)],
        )

    return deg_kernel


def _make_sc_msg(epad):
    cpt = epad // (_CHUNK * _NS)

    @functools.partial(
        pl.kernel,
        out_type=jax.ShapeDtypeStruct((_NC, _NPAD, _DH), jnp.float32),
        mesh=_sc_mesh(),
        scratch_types=[
            pltpu.VMEM((cpt, _CHUNK), jnp.int32),
            pltpu.VMEM((cpt, _CHUNK), jnp.int32),
            [pltpu.VMEM((_CHUNK, _DH), jnp.float32) for _ in range(_NBUF)],
            pltpu.VMEM_SHARED((_NPAD, _DH), jnp.float32),
            [pltpu.SemaphoreType.DMA for _ in range(_NBUF)],
            [pltpu.SemaphoreType.DMA for _ in range(_NBUF)],
        ],
        compiler_params=pltpu.CompilerParams(use_tc_tiling_on_sc=False),
    )
    def msg_kernel(y_hbm, srcg_hbm, dst_hbm, acc_out, srcv, dstv,
                   rows, acc_sh, gsem, ssem):
        cid = lax.axis_index("c")
        sid = lax.axis_index("s")

        def fill_zero(i, _):
            for j in range(_DH // 16):
                rows[0][i, pl.ds(j * 16, 16)] = jnp.zeros((16,), jnp.float32)
            return 0

        lax.fori_loop(0, _CHUNK, fill_zero, 0)
        base = sid * _RPT
        nfull, rem = _RPT // _CHUNK, _RPT % _CHUNK
        for r in range(nfull):
            pltpu.sync_copy(rows[0],
                            acc_sh.at[pl.ds(base + r * _CHUNK, _CHUNK)])
        if rem:
            pltpu.sync_copy(rows[0].at[pl.ds(0, rem)],
                            acc_sh.at[pl.ds(base + nfull * _CHUNK, rem)])
        plsc.subcore_barrier()

        pltpu.sync_copy(srcg_hbm.at[cid, pl.ds(sid * cpt, cpt)], srcv)
        pltpu.sync_copy(dst_hbm.at[pl.ds(sid * cpt, cpt)], dstv)

        for b in range(_LEAD):
            pltpu.async_copy(y_hbm.at[srcv.at[b]], rows[b], gsem[b])

        def visit(k, b):
            kf = k + _LEAD - _NBUF

            @pl.when(kf >= 0)
            def _():
                bf = (b + _LEAD) % _NBUF
                pltpu.make_async_copy(
                    rows[bf], acc_sh.at[dstv.at[jnp.maximum(kf, 0)]],
                    ssem[bf]).wait()

            @pl.when(k + _LEAD < cpt)
            def _():
                bg = (b + _LEAD) % _NBUF
                pltpu.async_copy(y_hbm.at[srcv.at[k + _LEAD]], rows[bg],
                                 gsem[bg])

            pltpu.make_async_copy(y_hbm.at[srcv.at[k]], rows[b], gsem[b]).wait()
            pltpu.async_copy(rows[b], acc_sh.at[dstv.at[k]], ssem[b],
                             add=True)

        ngroups = cpt // _NBUF

        def group(g, _):
            k0 = g * _NBUF
            for b in range(_NBUF):
                visit(k0 + b, b)
            return 0

        lax.fori_loop(0, ngroups, group, 0)
        for k in range(ngroups * _NBUF, cpt):
            visit(k, k % _NBUF)
        for k in range(cpt - (_NBUF - _LEAD), cpt):
            b = k % _NBUF
            pltpu.make_async_copy(rows[b], acc_sh.at[dstv.at[k]],
                                  ssem[b]).wait()
        plsc.subcore_barrier()
        pltpu.sync_copy(
            acc_sh.at[pl.ds(base, _RPT)],
            acc_out.at[cid, pl.ds(base, _RPT)],
        )

    return msg_kernel


def _tc_xw_body(x_ref, wi_ref, wih_ref, whh_ref, bih_ref, bhh_ref, xw_ref):
    w0 = wi_ref[...]
    gi = lax.dot_general(w0, wih_ref[...], (((1,), (1,)), ((), ())),
                         preferred_element_type=jnp.float32) + bih_ref[...]
    gh = lax.dot_general(w0, whh_ref[...], (((1,), (1,)), ((), ())),
                         preferred_element_type=jnp.float32) + bhh_ref[...]
    i_r, i_z, i_n = gi[:, :_D], gi[:, _D:2 * _D], gi[:, 2 * _D:]
    h_r, h_z, h_n = gh[:, :_D], gh[:, _D:2 * _D], gh[:, 2 * _D:]
    r = jax.nn.sigmoid(i_r + h_r)
    z = jax.nn.sigmoid(i_z + h_z)
    n = jnp.tanh(i_n + r * h_n)
    w = (1.0 - z) * n + z * w0
    xw_ref[...] = jnp.dot(x_ref[...], w, preferred_element_type=jnp.float32)


def _tc_scale_body(xw_ref, deg_ref, y_ref):
    deg = deg_ref[0] + deg_ref[1] + 1.0
    dinv = lax.rsqrt(deg)[:, 0:1]
    y_ref[...] = xw_ref[...] * dinv


def _tc_fin_body(acc_ref, y_ref, deg_ref, out_ref):
    deg = deg_ref[0] + deg_ref[1] + 1.0
    dinv = lax.rsqrt(deg)[:, 0:1]
    acc = jnp.concatenate([acc_ref[0], acc_ref[1]], axis=1)
    out_ref[...] = ((acc + y_ref[...]) * dinv)[:_N]


def kernel(x, edge_index, W_init, W_ih, W_hh, b_ih, b_hh):
    e = edge_index.shape[1]
    ealign = _CHUNK * _NS * 8
    epad = ((e + ealign - 1) // ealign) * ealign

    src = edge_index[0]
    dst = edge_index[1]
    padlen = epad - e
    pad_ix = jnp.full((padlen,), _N, jnp.int32)
    src_p = jnp.concatenate([src, pad_ix])
    dst2d = jnp.concatenate([dst, pad_ix]).reshape(epad // _CHUNK, _CHUNK)
    srcg = jnp.stack([2 * src_p, 2 * src_p + 1]).reshape(
        _NC, epad // _CHUNK, _CHUNK)
    x_pad = jnp.pad(x, ((0, _NPAD - _N), (0, 0)))

    deg16 = _make_sc_deg(epad)(dst2d)

    xw = pl.pallas_call(
        _tc_xw_body,
        out_shape=jax.ShapeDtypeStruct((_NPAD, _D), jnp.float32),
    )(x_pad, W_init, W_ih, W_hh, b_ih.reshape(1, 3 * _D),
      b_hh.reshape(1, 3 * _D))

    y = pl.pallas_call(
        _tc_scale_body,
        out_shape=jax.ShapeDtypeStruct((_NPAD, _D), jnp.float32),
    )(xw, deg16)

    acc = _make_sc_msg(epad)(y.reshape(2 * _NPAD, _DH), srcg, dst2d)

    out = pl.pallas_call(
        _tc_fin_body,
        out_shape=jax.ShapeDtypeStruct((_N, _D), jnp.float32),
    )(acc, y, deg16)
    return out

# --- scband reference (transcript-rebuilt; emitter-appended) ---
"""Pipeline reference for scband-evolve-gcn-o-7327214207526 (READ-ONLY COPY).

The authoritative reference and input builder live on the scoring server;
editing this copy changes nothing except your own understanding.
"""

import jax, jax.numpy as jnp
import numpy as np

N = 10000
E = 320000
D = 128


def setup_inputs(seed: int = 0):
    key = jax.random.key(seed)
    ks = jax.random.split(key, 7)
    x = jax.random.normal(ks[0], (N, D), dtype=jnp.float32)
    edge_index = jax.random.randint(ks[1], (2, E), 0, N, dtype=jnp.int32)
    s = 1.0 / np.sqrt(D)
    W_init = jax.random.uniform(ks[2], (D, D), minval=-s, maxval=s, dtype=jnp.float32)
    W_ih = jax.random.uniform(ks[3], (3 * D, D), minval=-s, maxval=s, dtype=jnp.float32)
    W_hh = jax.random.uniform(ks[4], (3 * D, D), minval=-s, maxval=s, dtype=jnp.float32)
    b_ih = jax.random.uniform(ks[5], (3 * D,), minval=-s, maxval=s, dtype=jnp.float32)
    b_hh = jax.random.uniform(ks[6], (3 * D,), minval=-s, maxval=s, dtype=jnp.float32)
    return {"x": x, "edge_index": edge_index, "W_init": W_init, "W_ih": W_ih,
            "W_hh": W_hh, "b_ih": b_ih, "b_hh": b_hh}


def reference(x, edge_index, W_init, W_ih, W_hh, b_ih, b_hh):
    # --- EvolveGCN-O weight evolution: one GRU step with input = hidden = current weight ---
    gi = W_init @ W_ih.T + b_ih
    gh = W_init @ W_hh.T + b_hh
    i_r, i_z, i_n = jnp.split(gi, 3, axis=-1)
    h_r, h_z, h_n = jnp.split(gh, 3, axis=-1)
    r = jax.nn.sigmoid(i_r + h_r)
    z = jax.nn.sigmoid(i_z + h_z)
    n = jnp.tanh(i_n + r * h_n)
    W = (1.0 - z) * n + z * W_init  # evolved GCN weight [D, D]

    # --- GCNConv with fixed (evolved) weight W ---
    Nn = x.shape[0]
    self_loops = jnp.arange(Nn, dtype=edge_index.dtype)
    src = jnp.concatenate([edge_index[0], self_loops])
    dst = jnp.concatenate([edge_index[1], self_loops])
    ew = jnp.ones(src.shape[0], dtype=x.dtype)
    deg = jnp.zeros(Nn, dtype=x.dtype).at[dst].add(ew)
    dinv = jnp.where(deg > 0, jax.lax.rsqrt(jnp.where(deg > 0, deg, 1.0)), 0.0)
    norm = dinv[src] * ew * dinv[dst]
    xw = x @ W
    out = jnp.zeros((Nn, xw.shape[1]), dtype=x.dtype).at[dst].add(norm[:, None] * xw[src])
    return out

if __name__ == "__main__":
    import jax
    _d = setup_inputs()
    print(jax.jit(kernel)(*tuple(_d.values())))

</pallas_src>

<mosaic_0001>
#map = affine_map<(d0, d1) -> (0, 0)>
#map1 = affine_map<(d0, d1) -> (0, 0, 0)>
module attributes {stable_mosaic.version = 14 : i64} {
  func.func @deg_kernel(%arg0: i32, %arg1: i32, %arg2: memref<2560x128xi32, #tpu.memory_space<hbm>>, %arg3: memref<2x10112x16xf32, #tpu.memory_space<hbm>>, %arg4: memref<80x128xi32, #tpu.memory_space<vmem>>, %arg5: memref<128x16xf32, #tpu.memory_space<vmem>>, %arg6: memref<632x16xf32, #tpu.memory_space<vmem>>, %arg7: memref<10112x16xf32, #tpu.memory_space<vmem_shared>>) attributes {dimension_semantics = [#tpu.dimension_semantics<core_parallel>, #tpu.dimension_semantics<subcore_parallel>], iteration_bounds = array<i64: 2, 16>, scalar_prefetch = 0 : i64, scratch_operands = 4 : i64, tpu.core_type = #tpu.core_type<sc_vector_subcore>, window_params = [{transform_indices = #map}, {transform_indices = #map1}]} {
    %mul3A = arith.constant 2 : i32
    %mul3A_0 = arith.muli %arg1, %mul3A : i32
    %add3A = arith.addi %mul3A_0, %arg0 : i32
    %scan3A = arith.constant 0 : i32
    %scan3A_1 = arith.constant 0 : i32
    %scan3A_2 = arith.constant 128 : i32
    %scan3A_3 = arith.addi %scan3A_1, %scan3A_2 : i32
    %scan3A_4 = arith.constant 1 : i32
    %scan3A_5 = scf.for %scan3A_30 = %scan3A_1 to %scan3A_3 step %scan3A_4 iter_args(%scan3A_31 = %scan3A) -> (i32)  : i32 {
      %broadcast_in_dim3A = arith.constant 1.000000e+00 : f32
      %broadcast_in_dim3A_32 = vector.broadcast %broadcast_in_dim3A : f32 to vector<16xf32>
      %swap3A = arith.index_cast %scan3A_30 : i32 to index
      %swap3A_33 = arith.constant 0 : index
      %swap3A_34 = tpu.vector_load %arg5[%swap3A, %swap3A_33] {strides = array<i32>} : memref<128x16xf32, #tpu.memory_space<vmem>>, vector<1x16xf32>,
      %swap3A_35 = vector.shape_cast %swap3A_34 : vector<1x16xf32> to vector<16xf32>
      %swap3A_36 = vector.shape_cast %broadcast_in_dim3A_32 : vector<16xf32> to vector<1x16xf32>
      tpu.vector_store %arg5[%swap3A, %swap3A_33], %swap3A_36 {strides = array<i32>} : memref<128x16xf32, #tpu.memory_space<vmem>>, vector<1x16xf32>,
      %scan3A_37 = arith.constant 0 : i32
      scf.yield %scan3A_37 : i32
    }
    %scan3A_6 = arith.constant 128 : i32
    %scan3A_7 = arith.constant 0 : i32
    %scan3A_8 = arith.constant 0 : i32
    %scan3A_9 = arith.constant 632 : i32
    %scan3A_10 = arith.addi %scan3A_8, %scan3A_9 : i32
    %scan3A_11 = arith.constant 1 : i32
    %scan3A_12 = scf.for %scan3A_30 = %scan3A_8 to %scan3A_10 step %scan3A_11 iter_args(%scan3A_31 = %scan3A_7) -> (i32)  : i32 {
      %broadcast_in_dim3A = arith.constant 0.000000e+00 : f32
      %broadcast_in_dim3A_32 = vector.broadcast %broadcast_in_dim3A : f32 to vector<16xf32>
      %swap3A = arith.index_cast %scan3A_30 : i32 to index
      %swap3A_33 = arith.constant 0 : index
      %swap3A_34 = tpu.vector_load %arg6[%swap3A, %swap3A_33] {strides = array<i32>} : memref<632x16xf32, #tpu.memory_space<vmem>>, vector<1x16xf32>,
      %swap3A_35 = vector.shape_cast %swap3A_34 : vector<1x16xf32> to vector<16xf32>
      %swap3A_36 = vector.shape_cast %broadcast_in_dim3A_32 : vector<16xf32> to vector<1x16xf32>
      tpu.vector_store %arg6[%swap3A, %swap3A_33], %swap3A_36 {strides = array<i32>} : memref<632x16xf32, #tpu.memory_space<vmem>>, vector<1x16xf32>,
      %scan3A_37 = arith.constant 0 : i32
      scf.yield %scan3A_37 : i32
    }
    %scan3A_13 = arith.constant 632 : i32
    %mul3A_14 = arith.constant 632 : i32
    %mul3A_15 = arith.muli %arg1, %mul3A_14 : i32
    "tpu.region"() ({
      %run_scoped3A = tpu.sem_alloc : memref<!tpu.dma_semaphore, #tpu.memory_space<semaphore_mem>>
      %dma_start3A = arith.constant 0 : i32
      %dma_start3A_30 = tpu.memref_slice %arg7[%mul3A_15, %dma_start3A] : memref<10112x16xf32, #tpu.memory_space<vmem_shared>> -> memref<632x16xf32, #tpu.memory_space<vmem_shared>>
      %dma_start3A_31 = arith.constant 0 : i32
      %dma_start3A_32 = tpu.memref_slice %arg7[%mul3A_15, %dma_start3A_31] : memref<10112x16xf32, #tpu.memory_space<vmem_shared>> -> memref<632x16xf32, #tpu.memory_space<vmem_shared>>
      tpu.enqueue_dma source(%arg6 : memref<632x16xf32, #tpu.memory_space<vmem>>) target(%dma_start3A_32 : memref<632x16xf32, #tpu.memory_space<vmem_shared>>) target_semaphore(%run_scoped3A : memref<!tpu.dma_semaphore, #tpu.memory_space<semaphore_mem>>)
      %dma_wait3A = arith.constant 0 : i32
      %dma_wait3A_33 = tpu.memref_slice %arg7[%mul3A_15, %dma_wait3A] : memref<10112x16xf32, #tpu.memory_space<vmem_shared>> -> memref<632x16xf32, #tpu.memory_space<vmem_shared>>
      %dma_wait3A_34 = arith.constant 0 : i32
      %dma_wait3A_35 = tpu.memref_slice %arg7[%mul3A_15, %dma_wait3A_34] : memref<10112x16xf32, #tpu.memory_space<vmem_shared>> -> memref<632x16xf32, #tpu.memory_space<vmem_shared>>
      tpu.wait_dma2 semaphore(%run_scoped3A : memref<!tpu.dma_semaphore, #tpu.memory_space<semaphore_mem>>) src(%arg6 : memref<632x16xf32, #tpu.memory_space<vmem>>) dst(%dma_wait3A_35 : memref<632x16xf32, #tpu.memory_space<vmem_shared>>)
      tpu.yield
    }) : () -> ()
    %barrier3A = arith.constant 0 : index
    tpu.barrier barrier_id(%barrier3A)
    %mul3A_16 = arith.constant 80 : i32
    %mul3A_17 = arith.muli %add3A, %mul3A_16 : i32
    "tpu.region"() ({
      %run_scoped3A = tpu.sem_alloc : memref<!tpu.dma_semaphore, #tpu.memory_space<semaphore_mem>>
      %dma_start3A = arith.constant 0 : i32
      %dma_start3A_30 = tpu.memref_slice %arg2[%mul3A_17, %dma_start3A] : memref<2560x128xi32, #tpu.memory_space<hbm>> -> memref<80x128xi32, #tpu.memory_space<hbm>>
      %dma_start3A_31 = arith.constant 0 : i32
      %dma_start3A_32 = tpu.memref_slice %arg2[%mul3A_17, %dma_start3A_31] : memref<2560x128xi32, #tpu.memory_space<hbm>> -> memref<80x128xi32, #tpu.memory_space<hbm>>
      tpu.enqueue_dma source(%dma_start3A_32 : memref<80x128xi32, #tpu.memory_space<hbm>>) target(%arg4 : memref<80x128xi32, #tpu.memory_space<vmem>>) target_semaphore(%run_scoped3A : memref<!tpu.dma_semaphore, #tpu.memory_space<semaphore_mem>>)
      %dma_wait3A = arith.constant 0 : i32
      %dma_wait3A_33 = tpu.memref_slice %arg2[%mul3A_17, %dma_wait3A] : memref<2560x128xi32, #tpu.memory_space<hbm>> -> memref<80x128xi32, #tpu.memory_space<hbm>>
      %dma_wait3A_34 = arith.constant 0 : i32
      %dma_wait3A_35 = tpu.memref_slice %arg2[%mul3A_17, %dma_wait3A_34] : memref<2560x128xi32, #tpu.memory_space<hbm>> -> memref<80x128xi32, #tpu.memory_space<hbm>>
      tpu.wait_dma2 semaphore(%run_scoped3A : memref<!tpu.dma_semaphore, #tpu.memory_space<semaphore_mem>>) src(%dma_wait3A_35 : memref<80x128xi32, #tpu.memory_space<hbm>>) dst(%arg4 : memref<80x128xi32, #tpu.memory_space<vmem>>)
      tpu.yield
    }) : () -> ()
    %scan3A_18 = arith.constant 0 : i32
    %scan3A_19 = arith.constant 0 : i32
    %scan3A_20 = arith.constant 80 : i32
    %scan3A_21 = arith.addi %scan3A_19, %scan3A_20 : i32
    %scan3A_22 = arith.constant 1 : i32
    %scan3A_23 = scf.for %scan3A_30 = %scan3A_19 to %scan3A_21 step %scan3A_22 iter_args(%scan3A_31 = %scan3A_18) -> (i32)  : i32 {
      "tpu.region"() ({
        %run_scoped3A = tpu.sem_alloc : memref<!tpu.dma_semaphore, #tpu.memory_space<semaphore_mem>>
        %dma_start3A = arith.constant 0 : i32
        %dma_start3A_33 = tpu.memref_slice %arg4[%scan3A_30, %dma_start3A] : memref<80x128xi32, #tpu.memory_space<vmem>> -> memref<1x128xi32, #tpu.memory_space<vmem>>
        %dma_start3A_34 = tpu.memref_squeeze %dma_start3A_33 : memref<1x128xi32, #tpu.memory_space<vmem>> -> memref<128xi32, #tpu.memory_space<vmem>>
        %dma_start3A_35 = arith.constant 0 : i32
        %dma_start3A_36 = arith.constant 0 : i32
        %dma_start3A_37 = tpu.memref_slice %arg7[%dma_start3A_35, %dma_start3A_36] : memref<10112x16xf32, #tpu.memory_space<vmem_shared>> -> memref<10112x16xf32, #tpu.memory_space<vmem_shared>>
        tpu.enqueue_indirect_dma source(%arg5 : memref<128x16xf32, #tpu.memory_space<vmem>>) target(%dma_start3A_37 : memref<10112x16xf32, #tpu.memory_space<vmem_shared>>) offsets(%dma_start3A_34 : memref<128xi32, #tpu.memory_space<vmem>>) semaphore(%run_scoped3A : memref<!tpu.dma_semaphore, #tpu.memory_space<semaphore_mem>>) {add = true}
        %dma_wait3A = arith.constant 0 : i32
        %dma_wait3A_38 = tpu.memref_slice %arg4[%scan3A_30, %dma_wait3A] : memref<80x128xi32, #tpu.memory_space<vmem>> -> memref<1x128xi32, #tpu.memory_space<vmem>>
        %dma_wait3A_39 = tpu.memref_squeeze %dma_wait3A_38 : memref<1x128xi32, #tpu.memory_space<vmem>> -> memref<128xi32, #tpu.memory_space<vmem>>
        %dma_wait3A_40 = arith.constant 0 : i32
        %dma_wait3A_41 = arith.constant 0 : i32
        %dma_wait3A_42 = tpu.memref_slice %arg7[%dma_wait3A_40, %dma_wait3A_41] : memref<10112x16xf32, #tpu.memory_space<vmem_shared>> -> memref<10112x16xf32, #tpu.memory_space<vmem_shared>>
        tpu.wait_indirect_dma semaphore(%run_scoped3A : memref<!tpu.dma_semaphore, #tpu.memory_space<semaphore_mem>>) src(%arg5 : memref<128x16xf32, #tpu.memory_space<vmem>>) dst(%dma_wait3A_42 : memref<10112x16xf32, #tpu.memory_space<vmem_shared>>)
        tpu.yield
      }) : () -> ()
      %scan3A_32 = arith.constant 0 : i32
      scf.yield %scan3A_32 : i32
    }
    %scan3A_24 = arith.constant 80 : i32
    %barrier3A_25 = arith.constant 0 : index
    tpu.barrier barrier_id(%barrier3A_25)
    %mul3A_26 = arith.constant 632 : i32
    %mul3A_27 = arith.muli %arg1, %mul3A_26 : i32
    %mul3A_28 = arith.constant 632 : i32
    %mul3A_29 = arith.muli %arg1, %mul3A_28 : i32
    "tpu.region"() ({
      %run_scoped3A = tpu.sem_alloc : memref<!tpu.dma_semaphore, #tpu.memory_space<semaphore_mem>>
      %dma_start3A = arith.constant 0 : i32
      %dma_start3A_30 = tpu.memref_slice %arg3[%arg0, %mul3A_29, %dma_start3A] : memref<2x10112x16xf32, #tpu.memory_space<hbm>> -> memref<1x632x16xf32, #tpu.memory_space<hbm>>
      %dma_start3A_31 = tpu.memref_squeeze %dma_start3A_30 : memref<1x632x16xf32, #tpu.memory_space<hbm>> -> memref<632x16xf32, #tpu.memory_space<hbm>>
      %dma_start3A_32 = arith.constant 0 : i32
      %dma_start3A_33 = tpu.memref_slice %arg7[%mul3A_27, %dma_start3A_32] : memref<10112x16xf32, #tpu.memory_space<vmem_shared>> -> memref<632x16xf32, #tpu.memory_space<vmem_shared>>
      tpu.enqueue_dma source(%dma_start3A_33 : memref<632x16xf32, #tpu.memory_space<vmem_shared>>) target(%dma_start3A_31 : memref<632x16xf32, #tpu.memory_space<hbm>>) target_semaphore(%run_scoped3A : memref<!tpu.dma_semaphore, #tpu.memory_space<semaphore_mem>>)
      %dma_wait3A = arith.constant 0 : i32
      %dma_wait3A_34 = tpu.memref_slice %arg3[%arg0, %mul3A_29, %dma_wait3A] : memref<2x10112x16xf32, #tpu.memory_space<hbm>> -> memref<1x632x16xf32, #tpu.memory_space<hbm>>
      %dma_wait3A_35 = tpu.memref_squeeze %dma_wait3A_34 : memref<1x632x16xf32, #tpu.memory_space<hbm>> -> memref<632x16xf32, #tpu.memory_space<hbm>>
      %dma_wait3A_36 = arith.constant 0 : i32
      %dma_wait3A_37 = tpu.memref_slice %arg7[%mul3A_27, %dma_wait3A_36] : memref<10112x16xf32, #tpu.memory_space<vmem_shared>> -> memref<632x16xf32, #tpu.memory_space<vmem_shared>>
      tpu.wait_dma2 semaphore(%run_scoped3A : memref<!tpu.dma_semaphore, #tpu.memory_space<semaphore_mem>>) src(%dma_wait3A_37 : memref<632x16xf32, #tpu.memory_space<vmem_shared>>) dst(%dma_wait3A_35 : memref<632x16xf32, #tpu.memory_space<hbm>>)
      tpu.yield
    }) : () -> ()
    return
  }
}

#map = affine_map<(d0, d1) -> (0, 0)>
#map1 = affine_map<(d0, d1) -> (0, 0, 0)>
module attributes {stable_mosaic.version = 14 : i64} {
  func.func @msg_kernel(%arg0: i32, %arg1: i32, %arg2: memref<20224x64xf32, #tpu.memory_space<hbm>>, %arg3: memref<2x2560x128xi32, #tpu.memory_space<hbm>>, %arg4: memref<2560x128xi32, #tpu.memory_space<hbm>>, %arg5: memref<2x10112x64xf32, #tpu.memory_space<hbm>>, %arg6: memref<160x128xi32, #tpu.memory_space<vmem>>, %arg7: memref<160x128xi32, #tpu.memory_space<vmem>>, %arg8: memref<128x64xf32, #tpu.memory_space<vmem>>, %arg9: memref<128x64xf32, #tpu.memory_space<vmem>>, %arg10: memref<128x64xf32, #tpu.memory_space<vmem>>, %arg11: memref<128x64xf32, #tpu.memory_space<vmem>>, %arg12: memref<128x64xf32, #tpu.memory_space<vmem>>, %arg13: memref<10112x64xf32, #tpu.memory_space<vmem_shared>>, %arg14: memref<!tpu.dma_semaphore, #tpu.memory_space<semaphore_mem>>, %arg15: memref<!tpu.dma_semaphore, #tpu.memory_space<semaphore_mem>>, %arg16: memref<!tpu.dma_semaphore, #tpu.memory_space<semaphore_mem>>, %arg17: memref<!tpu.dma_semaphore, #tpu.memory_space<semaphore_mem>>, %arg18: memref<!tpu.dma_semaphore, #tpu.memory_space<semaphore_mem>>, %arg19: memref<!tpu.dma_semaphore, #tpu.memory_space<semaphore_mem>>, %arg20: memref<!tpu.dma_semaphore, #tpu.memory_space<semaphore_mem>>, %arg21: memref<!tpu.dma_semaphore, #tpu.memory_space<semaphore_mem>>, %arg22: memref<!tpu.dma_semaphore, #tpu.memory_space<semaphore_mem>>, %arg23: memref<!tpu.dma_semaphore, #tpu.memory_space<semaphore_mem>>) attributes {dimension_semantics = [#tpu.dimension_semantics<core_parallel>, #tpu.dimension_semantics<subcore_parallel>], iteration_bounds = array<i64: 2, 16>, scalar_prefetch = 0 : i64, scratch_operands = 18 : i64, tpu.core_type = #tpu.core_type<sc_vector_subcore>, window_params = [{transform_indices = #map}, {transform_indices = #map1}, {transform_indices = #map}, {transform_indices = #map1}]} {
    %scan3A = arith.constant 0 : i32
    %scan3A_0 = arith.constant 0 : i32
    %scan3A_1 = arith.constant 128 : i32
    %scan3A_2 = arith.addi %scan3A_0, %scan3A_1 : i32
    %scan3A_3 = arith.constant 1 : i32
    %scan3A_4 = scf.for %scan3A_61 = %scan3A_0 to %scan3A_2 step %scan3A_3 iter_args(%scan3A_62 = %scan3A) -> (i32)  : i32 {
      %broadcast_in_dim3A = arith.constant 0.000000e+00 : f32
      %broadcast_in_dim3A_63 = vector.broadcast %broadcast_in_dim3A : f32 to vector<16xf32>
      %swap3A = arith.index_cast %scan3A_61 : i32 to index
      %swap3A_64 = arith.constant 0 : index
      %swap3A_65 = tpu.vector_load %arg8[%swap3A, %swap3A_64] {strides = array<i32>} : memref<128x64xf32, #tpu.memory_space<vmem>>, vector<1x16xf32>,
      %swap3A_66 = vector.shape_cast %swap3A_65 : vector<1x16xf32> to vector<16xf32>
      %swap3A_67 = vector.shape_cast %broadcast_in_dim3A_63 : vector<16xf32> to vector<1x16xf32>
      tpu.vector_store %arg8[%swap3A, %swap3A_64], %swap3A_67 {strides = array<i32>} : memref<128x64xf32, #tpu.memory_space<vmem>>, vector<1x16xf32>,
      %broadcast_in_dim3A_68 = arith.constant 0.000000e+00 : f32
      %broadcast_in_dim3A_69 = vector.broadcast %broadcast_in_dim3A_68 : f32 to vector<16xf32>
      %swap3A_70 = arith.index_cast %scan3A_61 : i32 to index
      %swap3A_71 = arith.constant 16 : index
      %swap3A_72 = tpu.vector_load %arg8[%swap3A_70, %swap3A_71] {strides = array<i32>} : memref<128x64xf32, #tpu.memory_space<vmem>>, vector<1x16xf32>,
      %swap3A_73 = vector.shape_cast %swap3A_72 : vector<1x16xf32> to vector<16xf32>
      %swap3A_74 = vector.shape_cast %broadcast_in_dim3A_69 : vector<16xf32> to vector<1x16xf32>
      tpu.vector_store %arg8[%swap3A_70, %swap3A_71], %swap3A_74 {strides = array<i32>} : memref<128x64xf32, #tpu.memory_space<vmem>>, vector<1x16xf32>,
      %broadcast_in_dim3A_75 = arith.constant 0.000000e+00 : f32
      %broadcast_in_dim3A_76 = vector.broadcast %broadcast_in_dim3A_75 : f32 to vector<16xf32>
      %swap3A_77 = arith.index_cast %scan3A_61 : i32 to index
      %swap3A_78 = arith.constant 32 : index
      %swap3A_79 = tpu.vector_load %arg8[%swap3A_77, %swap3A_78] {strides = array<i32>} : memref<128x64xf32, #tpu.memory_space<vmem>>, vector<1x16xf32>,
      %swap3A_80 = vector.shape_cast %swap3A_79 : vector<1x16xf32> to vector<16xf32>
      %swap3A_81 = vector.shape_cast %broadcast_in_dim3A_76 : vector<16xf32> to vector<1x16xf32>
      tpu.vector_store %arg8[%swap3A_77, %swap3A_78], %swap3A_81 {strides = array<i32>} : memref<128x64xf32, #tpu.memory_space<vmem>>, vector<1x16xf32>,
      %broadcast_in_dim3A_82 = arith.constant 0.000000e+00 : f32
      %broadcast_in_dim3A_83 = vector.broadcast %broadcast_in_dim3A_82 : f32 to vector<16xf32>
      %swap3A_84 = arith.index_cast %scan3A_61 : i32 to index
      %swap3A_85 = arith.constant 48 : index
      %swap3A_86 = tpu.vector_load %arg8[%swap3A_84, %swap3A_85] {strides = array<i32>} : memref<128x64xf32, #tpu.memory_space<vmem>>, vector<1x16xf32>,
      %swap3A_87 = vector.shape_cast %swap3A_86 : vector<1x16xf32> to vector<16xf32>
      %swap3A_88 = vector.shape_cast %broadcast_in_dim3A_83 : vector<16xf32> to vector<1x16xf32>
      tpu.vector_store %arg8[%swap3A_84, %swap3A_85], %swap3A_88 {strides = array<i32>} : memref<128x64xf32, #tpu.memory_space<vmem>>, vector<1x16xf32>,
      %scan3A_89 = arith.constant 0 : i32
      scf.yield %scan3A_89 : i32
    }
    %scan3A_5 = arith.constant 128 : i32
    %mul3A = arith.constant 632 : i32
    %mul3A_6 = arith.muli %arg1, %mul3A : i32
    %add3A = arith.constant 0 : i32
    %add3A_7 = arith.addi %mul3A_6, %add3A : i32
    "tpu.region"() ({
      %run_scoped3A = tpu.sem_alloc : memref<!tpu.dma_semaphore, #tpu.memory_space<semaphore_mem>>
      %dma_start3A_61 = arith.constant 0 : i32
      %dma_start3A_62 = tpu.memref_slice %arg13[%add3A_7, %dma_start3A_61] : memref<10112x64xf32, #tpu.memory_space<vmem_shared>> -> memref<128x64xf32, #tpu.memory_space<vmem_shared>>
      %dma_start3A_63 = arith.constant 0 : i32
      %dma_start3A_64 = tpu.memref_slice %arg13[%add3A_7, %dma_start3A_63] : memref<10112x64xf32, #tpu.memory_space<vmem_shared>> -> memref<128x64xf32, #tpu.memory_space<vmem_shared>>
      tpu.enqueue_dma source(%arg8 : memref<128x64xf32, #tpu.memory_space<vmem>>) target(%dma_start3A_64 : memref<128x64xf32, #tpu.memory_space<vmem_shared>>) target_semaphore(%run_scoped3A : memref<!tpu.dma_semaphore, #tpu.memory_space<semaphore_mem>>)
      %dma_wait3A_65 = arith.constant 0 : i32
      %dma_wait3A_66 = tpu.memref_slice %arg13[%add3A_7, %dma_wait3A_65] : memref<10112x64xf32, #tpu.memory_space<vmem_shared>> -> memref<128x64xf32, #tpu.memory_space<vmem_shared>>
      %dma_wait3A_67 = arith.constant 0 : i32
      %dma_wait3A_68 = tpu.memref_slice %arg13[%add3A_7, %dma_wait3A_67] : memref<10112x64xf32, #tpu.memory_space<vmem_shared>> -> memref<128x64xf32, #tpu.memory_space<vmem_shared>>
      tpu.wait_dma2 semaphore(%run_scoped3A : memref<!tpu.dma_semaphore, #tpu.memory_space<semaphore_mem>>) src(%arg8 : memref<128x64xf32, #tpu.memory_space<vmem>>) dst(%dma_wait3A_68 : memref<128x64xf32, #tpu.memory_space<vmem_shared>>)
      tpu.yield
    }) : () -> ()
    %add3A_8 = arith.constant 128 : i32
    %add3A_9 = arith.addi %mul3A_6, %add3A_8 : i32
    "tpu.region"() ({
      %run_scoped3A = tpu.sem_alloc : memref<!tpu.dma_semaphore, #tpu.memory_space<semaphore_mem>>
      %dma_start3A_61 = arith.constant 0 : i32
      %dma_start3A_62 = tpu.memref_slice %arg13[%add3A_9, %dma_start3A_61] : memref<10112x64xf32, #tpu.memory_space<vmem_shared>> -> memref<128x64xf32, #tpu.memory_space<vmem_shared>>
      %dma_start3A_63 = arith.constant 0 : i32
      %dma_start3A_64 = tpu.memref_slice %arg13[%add3A_9, %dma_start3A_63] : memref<10112x64xf32, #tpu.memory_space<vmem_shared>> -> memref<128x64xf32, #tpu.memory_space<vmem_shared>>
      tpu.enqueue_dma source(%arg8 : memref<128x64xf32, #tpu.memory_space<vmem>>) target(%dma_start3A_64 : memref<128x64xf32, #tpu.memory_space<vmem_shared>>) target_semaphore(%run_scoped3A : memref<!tpu.dma_semaphore, #tpu.memory_space<semaphore_mem>>)
      %dma_wait3A_65 = arith.constant 0 : i32
      %dma_wait3A_66 = tpu.memref_slice %arg13[%add3A_9, %dma_wait3A_65] : memref<10112x64xf32, #tpu.memory_space<vmem_shared>> -> memref<128x64xf32, #tpu.memory_space<vmem_shared>>
      %dma_wait3A_67 = arith.constant 0 : i32
      %dma_wait3A_68 = tpu.memref_slice %arg13[%add3A_9, %dma_wait3A_67] : memref<10112x64xf32, #tpu.memory_space<vmem_shared>> -> memref<128x64xf32, #tpu.memory_space<vmem_shared>>
      tpu.wait_dma2 semaphore(%run_scoped3A : memref<!tpu.dma_semaphore, #tpu.memory_space<semaphore_mem>>) src(%arg8 : memref<128x64xf32, #tpu.memory_space<vmem>>) dst(%dma_wait3A_68 : memref<128x64xf32, #tpu.memory_space<vmem_shared>>)
      tpu.yield
    }) : () -> ()
    %add3A_10 = arith.constant 256 : i32
    %add3A_11 = arith.addi %mul3A_6, %add3A_10 : i32
    "tpu.region"() ({
      %run_scoped3A = tpu.sem_alloc : memref<!tpu.dma_semaphore, #tpu.memory_space<semaphore_mem>>
      %dma_start3A_61 = arith.constant 0 : i32
      %dma_start3A_62 = tpu.memref_slice %arg13[%add3A_11, %dma_start3A_61] : memref<10112x64xf32, #tpu.memory_space<vmem_shared>> -> memref<128x64xf32, #tpu.memory_space<vmem_shared>>
      %dma_start3A_63 = arith.constant 0 : i32
      %dma_start3A_64 = tpu.memref_slice %arg13[%add3A_11, %dma_start3A_63] : memref<10112x64xf32, #tpu.memory_space<vmem_shared>> -> memref<128x64xf32, #tpu.memory_space<vmem_shared>>
      tpu.enqueue_dma source(%arg8 : memref<128x64xf32, #tpu.memory_space<vmem>>) target(%dma_start3A_64 : memref<128x64xf32, #tpu.memory_space<vmem_shared>>) target_semaphore(%run_scoped3A : memref<!tpu.dma_semaphore, #tpu.memory_space<semaphore_mem>>)
      %dma_wait3A_65 = arith.constant 0 : i32
      %dma_wait3A_66 = tpu.memref_slice %arg13[%add3A_11, %dma_wait3A_65] : memref<10112x64xf32, #tpu.memory_space<vmem_shared>> -> memref<128x64xf32, #tpu.memory_space<vmem_shared>>
      %dma_wait3A_67 = arith.constant 0 : i32
      %dma_wait3A_68 = tpu.memref_slice %arg13[%add3A_11, %dma_wait3A_67] : memref<10112x64xf32, #tpu.memory_space<vmem_shared>> -> memref<128x64xf32, #tpu.memory_space<vmem_shared>>
      tpu.wait_dma2 semaphore(%run_scoped3A : memref<!tpu.dma_semaphore, #tpu.memory_space<semaphore_mem>>) src(%arg8 : memref<128x64xf32, #tpu.memory_space<vmem>>) dst(%dma_wait3A_68 : memref<128x64xf32, #tpu.memory_space<vmem_shared>>)
      tpu.yield
    }) : () -> ()
    %add3A_12 = arith.constant 384 : i32
    %add3A_13 = arith.addi %mul3A_6, %add3A_12 : i32
    "tpu.region"() ({
      %run_scoped3A = tpu.sem_alloc : memref<!tpu.dma_semaphore, #tpu.memory_space<semaphore_mem>>
      %dma_start3A_61 = arith.constant 0 : i32
      %dma_start3A_62 = tpu.memref_slice %arg13[%add3A_13, %dma_start3A_61] : memref<10112x64xf32, #tpu.memory_space<vmem_shared>> -> memref<128x64xf32, #tpu.memory_space<vmem_shared>>
      %dma_start3A_63 = arith.constant 0 : i32
      %dma_start3A_64 = tpu.memref_slice %arg13[%add3A_13, %dma_start3A_63] : memref<10112x64xf32, #tpu.memory_space<vmem_shared>> -> memref<128x64xf32, #tpu.memory_space<vmem_shared>>
      tpu.enqueue_dma source(%arg8 : memref<128x64xf32, #tpu.memory_space<vmem>>) target(%dma_start3A_64 : memref<128x64xf32, #tpu.memory_space<vmem_shared>>) target_semaphore(%run_scoped3A : memref<!tpu.dma_semaphore, #tpu.memory_space<semaphore_mem>>)
      %dma_wait3A_65 = arith.constant 0 : i32
      %dma_wait3A_66 = tpu.memref_slice %arg13[%add3A_13, %dma_wait3A_65] : memref<10112x64xf32, #tpu.memory_space<vmem_shared>> -> memref<128x64xf32, #tpu.memory_space<vmem_shared>>
      %dma_wait3A_67 = arith.constant 0 : i32
      %dma_wait3A_68 = tpu.memref_slice %arg13[%add3A_13, %dma_wait3A_67] : memref<10112x64xf32, #tpu.memory_space<vmem_shared>> -> memref<128x64xf32, #tpu.memory_space<vmem_shared>>
      tpu.wait_dma2 semaphore(%run_scoped3A : memref<!tpu.dma_semaphore, #tpu.memory_space<semaphore_mem>>) src(%arg8 : memref<128x64xf32, #tpu.memory_space<vmem>>) dst(%dma_wait3A_68 : memref<128x64xf32, #tpu.memory_space<vmem_shared>>)
      tpu.yield
    }) : () -> ()
    %add3A_14 = arith.constant 512 : i32
    %add3A_15 = arith.addi %mul3A_6, %add3A_14 : i32
    "tpu.region"() ({
      %run_scoped3A = tpu.sem_alloc : memref<!tpu.dma_semaphore, #tpu.memory_space<semaphore_mem>>
      %dma_start3A_61 = arith.constant 0 : i32
      %dma_start3A_62 = arith.constant 0 : i32
      %dma_start3A_63 = tpu.memref_slice %arg8[%dma_start3A_61, %dma_start3A_62] : memref<128x64xf32, #tpu.memory_space<vmem>> -> memref<120x64xf32, #tpu.memory_space<vmem>>
      %dma_start3A_64 = arith.constant 0 : i32
      %dma_start3A_65 = tpu.memref_slice %arg13[%add3A_15, %dma_start3A_64] : memref<10112x64xf32, #tpu.memory_space<vmem_shared>> -> memref<120x64xf32, #tpu.memory_space<vmem_shared>>
      %dma_start3A_66 = arith.constant 0 : i32
      %dma_start3A_67 = tpu.memref_slice %arg13[%add3A_15, %dma_start3A_66] : memref<10112x64xf32, #tpu.memory_space<vmem_shared>> -> memref<120x64xf32, #tpu.memory_space<vmem_shared>>
      %dma_start3A_68 = arith.constant 0 : i32
      %dma_start3A_69 = arith.constant 0 : i32
      %dma_start3A_70 = tpu.memref_slice %arg8[%dma_start3A_68, %dma_start3A_69] : memref<128x64xf32, #tpu.memory_space<vmem>> -> memref<120x64xf32, #tpu.memory_space<vmem>>
      tpu.enqueue_dma source(%dma_start3A_70 : memref<120x64xf32, #tpu.memory_space<vmem>>) target(%dma_start3A_67 : memref<120x64xf32, #tpu.memory_space<vmem_shared>>) target_semaphore(%run_scoped3A : memref<!tpu.dma_semaphore, #tpu.memory_space<semaphore_mem>>)
      %dma_wait3A_71 = arith.constant 0 : i32
      %dma_wait3A_72 = arith.constant 0 : i32
      %dma_wait3A_73 = tpu.memref_slice %arg8[%dma_wait3A_71, %dma_wait3A_72] : memref<128x64xf32, #tpu.memory_space<vmem>> -> memref<120x64xf32, #tpu.memory_space<vmem>>
      %dma_wait3A_74 = arith.constant 0 : i32
      %dma_wait3A_75 = tpu.memref_slice %arg13[%add3A_15, %dma_wait3A_74] : memref<10112x64xf32, #tpu.memory_space<vmem_shared>> -> memref<120x64xf32, #tpu.memory_space<vmem_shared>>
      %dma_wait3A_76 = arith.constant 0 : i32
      %dma_wait3A_77 = tpu.memref_slice %arg13[%add3A_15, %dma_wait3A_76] : memref<10112x64xf32, #tpu.memory_space<vmem_shared>> -> memref<120x64xf32, #tpu.memory_space<vmem_shared>>
      %dma_wait3A_78 = arith.constant 0 : i32
      %dma_wait3A_79 = arith.constant 0 : i32
      %dma_wait3A_80 = tpu.memref_slice %arg8[%dma_wait3A_78, %dma_wait3A_79] : memref<128x64xf32, #tpu.memory_space<vmem>> -> memref<120x64xf32, #tpu.memory_space<vmem>>
      tpu.wait_dma2 semaphore(%run_scoped3A : memref<!tpu.dma_semaphore, #tpu.memory_space<semaphore_mem>>) src(%dma_wait3A_80 : memref<120x64xf32, #tpu.memory_space<vmem>>) dst(%dma_wait3A_77 : memref<120x64xf32, #tpu.memory_space<vmem_shared>>)
      tpu.yield
    }) : () -> ()
    %barrier3A = arith.constant 0 : index
    tpu.barrier barrier_id(%barrier3A)
    %mul3A_16 = arith.constant 160 : i32
    %mul3A_17 = arith.muli %arg1, %mul3A_16 : i32
    "tpu.region"() ({
      %run_scoped3A = tpu.sem_alloc : memref<!tpu.dma_semaphore, #tpu.memory_space<semaphore_mem>>
      %dma_start3A_61 = arith.constant 0 : i32
      %dma_start3A_62 = tpu.memref_slice %arg3[%arg0, %mul3A_17, %dma_start3A_61] : memref<2x2560x128xi32, #tpu.memory_space<hbm>> -> memref<1x160x128xi32, #tpu.memory_space<hbm>>
      %dma_start3A_63 = tpu.memref_squeeze %dma_start3A_62 : memref<1x160x128xi32, #tpu.memory_space<hbm>> -> memref<160x128xi32, #tpu.memory_space<hbm>>
      %dma_start3A_64 = arith.constant 0 : i32
      %dma_start3A_65 = tpu.memref_slice %arg3[%arg0, %mul3A_17, %dma_start3A_64] : memref<2x2560x128xi32, #tpu.memory_space<hbm>> -> memref<1x160x128xi32, #tpu.memory_space<hbm>>
      %dma_start3A_66 = tpu.memref_squeeze %dma_start3A_65 : memref<1x160x128xi32, #tpu.memory_space<hbm>> -> memref<160x128xi32, #tpu.memory_space<hbm>>
      tpu.enqueue_dma source(%dma_start3A_66 : memref<160x128xi32, #tpu.memory_space<hbm>>) target(%arg6 : memref<160x128xi32, #tpu.memory_space<vmem>>) target_semaphore(%run_scoped3A : memref<!tpu.dma_semaphore, #tpu.memory_space<semaphore_mem>>)
      %dma_wait3A_67 = arith.constant 0 : i32
      %dma_wait3A_68 = tpu.memref_slice %arg3[%arg0, %mul3A_17, %dma_wait3A_67] : memref<2x2560x128xi32, #tpu.memory_space<hbm>> -> memref<1x160x128xi32, #tpu.memory_space<hbm>>
      %dma_wait3A_69 = tpu.memref_squeeze %dma_wait3A_68 : memref<1x160x128xi32, #tpu.memory_space<hbm>> -> memref<160x128xi32, #tpu.memory_space<hbm>>
      %dma_wait3A_70 = arith.constant 0 : i32
      %dma_wait3A_71 = tpu.memref_slice %arg3[%arg0, %mul3A_17, %dma_wait3A_70] : memref<2x2560x128xi32, #tpu.memory_space<hbm>> -> memref<1x160x128xi32, #tpu.memory_space<hbm>>
      %dma_wait3A_72 = tpu.memref_squeeze %dma_wait3A_71 : memref<1x160x128xi32, #tpu.memory_space<hbm>> -> memref<160x128xi32, #tpu.memory_space<hbm>>
      tpu.wait_dma2 semaphore(%run_scoped3A : memref<!tpu.dma_semaphore, #tpu.memory_space<semaphore_mem>>) src(%dma_wait3A_72 : memref<160x128xi32, #tpu.memory_space<hbm>>) dst(%arg6 : memref<160x128xi32, #tpu.memory_space<vmem>>)
      tpu.yield
    }) : () -> ()
    %mul3A_18 = arith.constant 160 : i32
    %mul3A_19 = arith.muli %arg1, %mul3A_18 : i32
    "tpu.region"() ({
      %run_scoped3A = tpu.sem_alloc : memref<!tpu.dma_semaphore, #tpu.memory_space<semaphore_mem>>
      %dma_start3A_61 = arith.constant 0 : i32
      %dma_start3A_62 = tpu.memref_slice %arg4[%mul3A_19, %dma_start3A_61] : memref<2560x128xi32, #tpu.memory_space<hbm>> -> memref<160x128xi32, #tpu.memory_space<hbm>>
      %dma_start3A_63 = arith.constant 0 : i32
      %dma_start3A_64 = tpu.memref_slice %arg4[%mul3A_19, %dma_start3A_63] : memref<2560x128xi32, #tpu.memory_space<hbm>> -> memref<160x128xi32, #tpu.memory_space<hbm>>
      tpu.enqueue_dma source(%dma_start3A_64 : memref<160x128xi32, #tpu.memory_space<hbm>>) target(%arg7 : memref<160x128xi32, #tpu.memory_space<vmem>>) target_semaphore(%run_scoped3A : memref<!tpu.dma_semaphore, #tpu.memory_space<semaphore_mem>>)
      %dma_wait3A_65 = arith.constant 0 : i32
      %dma_wait3A_66 = tpu.memref_slice %arg4[%mul3A_19, %dma_wait3A_65] : memref<2560x128xi32, #tpu.memory_space<hbm>> -> memref<160x128xi32, #tpu.memory_space<hbm>>
      %dma_wait3A_67 = arith.constant 0 : i32
      %dma_wait3A_68 = tpu.memref_slice %arg4[%mul3A_19, %dma_wait3A_67] : memref<2560x128xi32, #tpu.memory_space<hbm>> -> memref<160x128xi32, #tpu.memory_space<hbm>>
      tpu.wait_dma2 semaphore(%run_scoped3A : memref<!tpu.dma_semaphore, #tpu.memory_space<semaphore_mem>>) src(%dma_wait3A_68 : memref<160x128xi32, #tpu.memory_space<hbm>>) dst(%arg7 : memref<160x128xi32, #tpu.memory_space<vmem>>)
      tpu.yield
    }) : () -> ()
    %dma_start3A = arith.constant 0 : i32
    %dma_start3A_20 = arith.constant 0 : i32
    %dma_start3A_21 = tpu.memref_slice %arg6[%dma_start3A, %dma_start3A_20] : memref<160x128xi32, #tpu.memory_space<vmem>> -> memref<1x128xi32, #tpu.memory_space<vmem>>
    %dma_start3A_22 = tpu.memref_squeeze %dma_start3A_21 : memref<1x128xi32, #tpu.memory_space<vmem>> -> memref<128xi32, #tpu.memory_space<vmem>>
    %dma_start3A_23 = arith.constant 0 : i32
    %dma_start3A_24 = arith.constant 0 : i32
    %dma_start3A_25 = tpu.memref_slice %arg2[%dma_start3A_23, %dma_start3A_24] : memref<20224x64xf32, #tpu.memory_space<hbm>> -> memref<20224x64xf32, #tpu.memory_space<hbm>>
    tpu.enqueue_indirect_dma source(%dma_start3A_25 : memref<20224x64xf32, #tpu.memory_space<hbm>>) target(%arg8 : memref<128x64xf32, #tpu.memory_space<vmem>>) offsets(%dma_start3A_22 : memref<128xi32, #tpu.memory_space<vmem>>) semaphore(%arg14 : memref<!tpu.dma_semaphore, #tpu.memory_space<semaphore_mem>>)
    %dma_start3A_26 = arith.constant 1 : i32
    %dma_start3A_27 = arith.constant 0 : i32
    %dma_start3A_28 = tpu.memref_slice %arg6[%dma_start3A_26, %dma_start3A_27] : memref<160x128xi32, #tpu.memory_space<vmem>> -> memref<1x128xi32, #tpu.memory_space<vmem>>
    %dma_start3A_29 = tpu.memref_squeeze %dma_start3A_28 : memref<1x128xi32, #tpu.memory_space<vmem>> -> memref<128xi32, #tpu.memory_space<vmem>>
    %dma_start3A_30 = arith.constant 0 : i32
    %dma_start3A_31 = arith.constant 0 : i32
    %dma_start3A_32 = tpu.memref_slice %arg2[%dma_start3A_30, %dma_start3A_31] : memref<20224x64xf32, #tpu.memory_space<hbm>> -> memref<20224x64xf32, #tpu.memory_space<hbm>>
    tpu.enqueue_indirect_dma source(%dma_start3A_32 : memref<20224x64xf32, #tpu.memory_space<hbm>>) target(%arg9 : memref<128x64xf32, #tpu.memory_space<vmem>>) offsets(%dma_start3A_29 : memref<128xi32, #tpu.memory_space<vmem>>) semaphore(%arg15 : memref<!tpu.dma_semaphore, #tpu.memory_space<semaphore_mem>>)
    %dma_start3A_33 = arith.constant 2 : i32
    %dma_start3A_34 = arith.constant 0 : i32
    %dma_start3A_35 = tpu.memref_slice %arg6[%dma_start3A_33, %dma_start3A_34] : memref<160x128xi32, #tpu.memory_space<vmem>> -> memref<1x128xi32, #tpu.memory_space<vmem>>
    %dma_start3A_36 = tpu.memref_squeeze %dma_start3A_35 : memref<1x128xi32, #tpu.memory_space<vmem>> -> memref<128xi32, #tpu.memory_space<vmem>>
    %dma_start3A_37 = arith.constant 0 : i32
    %dma_start3A_38 = arith.constant 0 : i32
    %dma_start3A_39 = tpu.memref_slice %arg2[%dma_start3A_37, %dma_start3A_38] : memref<20224x64xf32, #tpu.memory_space<hbm>> -> memref<20224x64xf32, #tpu.memory_space<hbm>>
    tpu.enqueue_indirect_dma source(%dma_start3A_39 : memref<20224x64xf32, #tpu.memory_space<hbm>>) target(%arg10 : memref<128x64xf32, #tpu.memory_space<vmem>>) offsets(%dma_start3A_36 : memref<128xi32, #tpu.memory_space<vmem>>) semaphore(%arg16 : memref<!tpu.dma_semaphore, #tpu.memory_space<semaphore_mem>>)
    %dma_start3A_40 = arith.constant 3 : i32
    %dma_start3A_41 = arith.constant 0 : i32
    %dma_start3A_42 = tpu.memref_slice %arg6[%dma_start3A_40, %dma_start3A_41] : memref<160x128xi32, #tpu.memory_space<vmem>> -> memref<1x128xi32, #tpu.memory_space<vmem>>
    %dma_start3A_43 = tpu.memref_squeeze %dma_start3A_42 : memref<1x128xi32, #tpu.memory_space<vmem>> -> memref<128xi32, #tpu.memory_space<vmem>>
    %dma_start3A_44 = arith.constant 0 : i32
    %dma_start3A_45 = arith.constant 0 : i32
    %dma_start3A_46 = tpu.memref_slice %arg2[%dma_start3A_44, %dma_start3A_45] : memref<20224x64xf32, #tpu.memory_space<hbm>> -> memref<20224x64xf32, #tpu.memory_space<hbm>>
    tpu.enqueue_indirect_dma source(%dma_start3A_46 : memref<20224x64xf32, #tpu.memory_space<hbm>>) target(%arg11 : memref<128x64xf32, #tpu.memory_space<vmem>>) offsets(%dma_start3A_43 : memref<128xi32, #tpu.memory_space<vmem>>) semaphore(%arg17 : memref<!tpu.dma_semaphore, #tpu.memory_space<semaphore_mem>>)
    %scan3A_47 = arith.constant 0 : i32
    %scan3A_48 = arith.constant 0 : i32
    %scan3A_49 = arith.constant 32 : i32
    %scan3A_50 = arith.addi %scan3A_48, %scan3A_49 : i32
    %scan3A_51 = arith.constant 1 : i32
    %scan3A_52 = scf.for %scan3A_61 = %scan3A_48 to %scan3A_50 step %scan3A_51 iter_args(%scan3A_62 = %scan3A_47) -> (i32)  : i32 {
      %mul3A_63 = arith.constant 5 : i32
      %mul3A_64 = arith.muli %scan3A_61, %mul3A_63 : i32
      %add3A_65 = arith.constant 0 : i32
      %add3A_66 = arith.addi %mul3A_64, %add3A_65 : i32
      %add3A_67 = arith.constant 4 : i32
      %add3A_68 = arith.addi %add3A_66, %add3A_67 : i32
      %sub3A = arith.constant 5 : i32
      %sub3A_69 = arith.subi %add3A_68, %sub3A : i32
      %ge3A = arith.constant 0 : i32
      %ge3A_70 = arith.cmpi sge, %sub3A_69, %ge3A : i32
      %convert_element_type3A = arith.extui %ge3A_70 : i1 to i32
      %cond3A = arith.constant 0 : i32
      %cond3A_71 = arith.cmpi ne, %convert_element_type3A, %cond3A : i32
      scf.if %cond3A_71 {
        %max3A = arith.constant 0 : i32
        %max3A_211 = arith.maxsi %sub3A_69, %max3A : i32
        %dma_wait3A_212 = arith.constant 0 : i32
        %dma_wait3A_213 = tpu.memref_slice %arg7[%max3A_211, %dma_wait3A_212] : memref<160x128xi32, #tpu.memory_space<vmem>> -> memref<1x128xi32, #tpu.memory_space<vmem>>
        %dma_wait3A_214 = tpu.memref_squeeze %dma_wait3A_213 : memref<1x128xi32, #tpu.memory_space<vmem>> -> memref<128xi32, #tpu.memory_space<vmem>>
        %dma_wait3A_215 = arith.constant 0 : i32
        %dma_wait3A_216 = arith.constant 0 : i32
        %dma_wait3A_217 = tpu.memref_slice %arg13[%dma_wait3A_215, %dma_wait3A_216] : memref<10112x64xf32, #tpu.memory_space<vmem_shared>> -> memref<10112x64xf32, #tpu.memory_space<vmem_shared>>
        tpu.wait_indirect_dma semaphore(%arg23 : memref<!tpu.dma_semaphore, #tpu.memory_space<semaphore_mem>>) src(%arg12 : memref<128x64xf32, #tpu.memory_space<vmem>>) dst(%dma_wait3A_217 : memref<10112x64xf32, #tpu.memory_space<vmem_shared>>)
      } else {
      }
      %add3A_72 = arith.constant 4 : i32
      %add3A_73 = arith.addi %add3A_66, %add3A_72 : i32
      %lt3A = arith.constant 160 : i32
      %lt3A_74 = arith.cmpi slt, %add3A_73, %lt3A : i32
      %convert_element_type3A_75 = arith.extui %lt3A_74 : i1 to i32
      %cond3A_76 = arith.constant 0 : i32
      %cond3A_77 = arith.cmpi ne, %convert_element_type3A_75, %cond3A_76 : i32
      scf.if %cond3A_77 {
        %add3A_211 = arith.constant 4 : i32
        %add3A_212 = arith.addi %add3A_66, %add3A_211 : i32
        %dma_start3A_213 = arith.constant 0 : i32
        %dma_start3A_214 = tpu.memref_slice %arg6[%add3A_212, %dma_start3A_213] : memref<160x128xi32, #tpu.memory_space<vmem>> -> memref<1x128xi32, #tpu.memory_space<vmem>>
        %dma_start3A_215 = tpu.memref_squeeze %dma_start3A_214 : memref<1x128xi32, #tpu.memory_space<vmem>> -> memref<128xi32, #tpu.memory_space<vmem>>
        %dma_start3A_216 = arith.constant 0 : i32
        %dma_start3A_217 = arith.constant 0 : i32
        %dma_start3A_218 = tpu.memref_slice %arg2[%dma_start3A_216, %dma_start3A_217] : memref<20224x64xf32, #tpu.memory_space<hbm>> -> memref<20224x64xf32, #tpu.memory_space<hbm>>
        tpu.enqueue_indirect_dma source(%dma_start3A_218 : memref<20224x64xf32, #tpu.memory_space<hbm>>) target(%arg12 : memref<128x64xf32, #tpu.memory_space<vmem>>) offsets(%dma_start3A_215 : memref<128xi32, #tpu.memory_space<vmem>>) semaphore(%arg18 : memref<!tpu.dma_semaphore, #tpu.memory_space<semaphore_mem>>)
      } else {
      }
      %dma_wait3A_78 = arith.constant 0 : i32
      %dma_wait3A_79 = tpu.memref_slice %arg6[%add3A_66, %dma_wait3A_78] : memref<160x128xi32, #tpu.memory_space<vmem>> -> memref<1x128xi32, #tpu.memory_space<vmem>>
      %dma_wait3A_80 = tpu.memref_squeeze %dma_wait3A_79 : memref<1x128xi32, #tpu.memory_space<vmem>> -> memref<128xi32, #tpu.memory_space<vmem>>
      %dma_wait3A_81 = arith.constant 0 : i32
      %dma_wait3A_82 = arith.constant 0 : i32
      %dma_wait3A_83 = tpu.memref_slice %arg2[%dma_wait3A_81, %dma_wait3A_82] : memref<20224x64xf32, #tpu.memory_space<hbm>> -> memref<20224x64xf32, #tpu.memory_space<hbm>>
      tpu.wait_indirect_dma semaphore(%arg14 : memref<!tpu.dma_semaphore, #tpu.memory_space<semaphore_mem>>) src(%dma_wait3A_83 : memref<20224x64xf32, #tpu.memory_space<hbm>>) dst(%arg8 : memref<128x64xf32, #tpu.memory_space<vmem>>)
      %dma_start3A_84 = arith.constant 0 : i32
      %dma_start3A_85 = tpu.memref_slice %arg7[%add3A_66, %dma_start3A_84] : memref<160x128xi32, #tpu.memory_space<vmem>> -> memref<1x128xi32, #tpu.memory_space<vmem>>
      %dma_start3A_86 = tpu.memref_squeeze %dma_start3A_85 : memref<1x128xi32, #tpu.memory_space<vmem>> -> memref<128xi32, #tpu.memory_space<vmem>>
      %dma_start3A_87 = arith.constant 0 : i32
      %dma_start3A_88 = arith.constant 0 : i32
      %dma_start3A_89 = tpu.memref_slice %arg13[%dma_start3A_87, %dma_start3A_88] : memref<10112x64xf32, #tpu.memory_space<vmem_shared>> -> memref<10112x64xf32, #tpu.memory_space<vmem_shared>>
      tpu.enqueue_indirect_dma source(%arg8 : memref<128x64xf32, #tpu.memory_space<vmem>>) target(%dma_start3A_89 : memref<10112x64xf32, #tpu.memory_space<vmem_shared>>) offsets(%dma_start3A_86 : memref<128xi32, #tpu.memory_space<vmem>>) semaphore(%arg19 : memref<!tpu.dma_semaphore, #tpu.memory_space<semaphore_mem>>) {add = true}
      %add3A_90 = arith.constant 1 : i32
      %add3A_91 = arith.addi %mul3A_64, %add3A_90 : i32
      %add3A_92 = arith.constant 4 : i32
      %add3A_93 = arith.addi %add3A_91, %add3A_92 : i32
      %sub3A_94 = arith.constant 5 : i32
      %sub3A_95 = arith.subi %add3A_93, %sub3A_94 : i32
      %ge3A_96 = arith.constant 0 : i32
      %ge3A_97 = arith.cmpi sge, %sub3A_95, %ge3A_96 : i32
      %convert_element_type3A_98 = arith.extui %ge3A_97 : i1 to i32
      %cond3A_99 = arith.constant 0 : i32
      %cond3A_100 = arith.cmpi ne, %convert_element_type3A_98, %cond3A_99 : i32
      scf.if %cond3A_100 {
        %max3A = arith.constant 0 : i32
        %max3A_211 = arith.maxsi %sub3A_95, %max3A : i32
        %dma_wait3A_212 = arith.constant 0 : i32
        %dma_wait3A_213 = tpu.memref_slice %arg7[%max3A_211, %dma_wait3A_212] : memref<160x128xi32, #tpu.memory_space<vmem>> -> memref<1x128xi32, #tpu.memory_space<vmem>>
        %dma_wait3A_214 = tpu.memref_squeeze %dma_wait3A_213 : memref<1x128xi32, #tpu.memory_space<vmem>> -> memref<128xi32, #tpu.memory_space<vmem>>
        %dma_wait3A_215 = arith.constant 0 : i32
        %dma_wait3A_216 = arith.constant 0 : i32
        %dma_wait3A_217 = tpu.memref_slice %arg13[%dma_wait3A_215, %dma_wait3A_216] : memref<10112x64xf32, #tpu.memory_space<vmem_shared>> -> memref<10112x64xf32, #tpu.memory_space<vmem_shared>>
        tpu.wait_indirect_dma semaphore(%arg19 : memref<!tpu.dma_semaphore, #tpu.memory_space<semaphore_mem>>) src(%arg8 : memref<128x64xf32, #tpu.memory_space<vmem>>) dst(%dma_wait3A_217 : memref<10112x64xf32, #tpu.memory_space<vmem_shared>>)
      } else {
      }
      %add3A_101 = arith.constant 4 : i32
      %add3A_102 = arith.addi %add3A_91, %add3A_101 : i32
      %lt3A_103 = arith.constant 160 : i32
      %lt3A_104 = arith.cmpi slt, %add3A_102, %lt3A_103 : i32
      %convert_element_type3A_105 = arith.extui %lt3A_104 : i1 to i32
      %cond3A_106 = arith.constant 0 : i32
      %cond3A_107 = arith.cmpi ne, %convert_element_type3A_105, %cond3A_106 : i32
      scf.if %cond3A_107 {
        %add3A_211 = arith.constant 4 : i32
        %add3A_212 = arith.addi %add3A_91, %add3A_211 : i32
        %dma_start3A_213 = arith.constant 0 : i32
        %dma_start3A_214 = tpu.memref_slice %arg6[%add3A_212, %dma_start3A_213] : memref<160x128xi32, #tpu.memory_space<vmem>> -> memref<1x128xi32, #tpu.memory_space<vmem>>
        %dma_start3A_215 = tpu.memref_squeeze %dma_start3A_214 : memref<1x128xi32, #tpu.memory_space<vmem>> -> memref<128xi32, #tpu.memory_space<vmem>>
        %dma_start3A_216 = arith.constant 0 : i32
        %dma_start3A_217 = arith.constant 0 : i32
        %dma_start3A_218 = tpu.memref_slice %arg2[%dma_start3A_216, %dma_start3A_217] : memref<20224x64xf32, #tpu.memory_space<hbm>> -> memref<20224x64xf32, #tpu.memory_space<hbm>>
        tpu.enqueue_indirect_dma source(%dma_start3A_218 : memref<20224x64xf32, #tpu.memory_space<hbm>>) target(%arg8 : memref<128x64xf32, #tpu.memory_space<vmem>>) offsets(%dma_start3A_215 : memref<128xi32, #tpu.memory_space<vmem>>) semaphore(%arg14 : memref<!tpu.dma_semaphore, #tpu.memory_space<semaphore_mem>>)
      } else {
      }
      %dma_wait3A_108 = arith.constant 0 : i32
      %dma_wait3A_109 = tpu.memref_slice %arg6[%add3A_91, %dma_wait3A_108] : memref<160x128xi32, #tpu.memory_space<vmem>> -> memref<1x128xi32, #tpu.memory_space<vmem>>
      %dma_wait3A_110 = tpu.memref_squeeze %dma_wait3A_109 : memref<1x128xi32, #tpu.memory_space<vmem>> -> memref<128xi32, #tpu.memory_space<vmem>>
      %dma_wait3A_111 = arith.constant 0 : i32
      %dma_wait3A_112 = arith.constant 0 : i32
      %dma_wait3A_113 = tpu.memref_slice %arg2[%dma_wait3A_111, %dma_wait3A_112] : memref<20224x64xf32, #tpu.memory_space<hbm>> -> memref<20224x64xf32, #tpu.memory_space<hbm>>
      tpu.wait_indirect_dma semaphore(%arg15 : memref<!tpu.dma_semaphore, #tpu.memory_space<semaphore_mem>>) src(%dma_wait3A_113 : memref<20224x64xf32, #tpu.memory_space<hbm>>) dst(%arg9 : memref<128x64xf32, #tpu.memory_space<vmem>>)
      %dma_start3A_114 = arith.constant 0 : i32
      %dma_start3A_115 = tpu.memref_slice %arg7[%add3A_91, %dma_start3A_114] : memref<160x128xi32, #tpu.memory_space<vmem>> -> memref<1x128xi32, #tpu.memory_space<vmem>>
      %dma_start3A_116 = tpu.memref_squeeze %dma_start3A_115 : memref<1x128xi32, #tpu.memory_space<vmem>> -> memref<128xi32, #tpu.memory_space<vmem>>
      %dma_start3A_117 = arith.constant 0 : i32
      %dma_start3A_118 = arith.constant 0 : i32
      %dma_start3A_119 = tpu.memref_slice %arg13[%dma_start3A_117, %dma_start3A_118] : memref<10112x64xf32, #tpu.memory_space<vmem_shared>> -> memref<10112x64xf32, #tpu.memory_space<vmem_shared>>
      tpu.enqueue_indirect_dma source(%arg9 : memref<128x64xf32, #tpu.memory_space<vmem>>) target(%dma_start3A_119 : memref<10112x64xf32, #tpu.memory_space<vmem_shared>>) offsets(%dma_start3A_116 : memref<128xi32, #tpu.memory_space<vmem>>) semaphore(%arg20 : memref<!tpu.dma_semaphore, #tpu.memory_space<semaphore_mem>>) {add = true}
      %add3A_120 = arith.constant 2 : i32
      %add3A_121 = arith.addi %mul3A_64, %add3A_120 : i32
      %add3A_122 = arith.constant 4 : i32
      %add3A_123 = arith.addi %add3A_121, %add3A_122 : i32
      %sub3A_124 = arith.constant 5 : i32
      %sub3A_125 = arith.subi %add3A_123, %sub3A_124 : i32
      %ge3A_126 = arith.constant 0 : i32
      %ge3A_127 = arith.cmpi sge, %sub3A_125, %ge3A_126 : i32
      %convert_element_type3A_128 = arith.extui %ge3A_127 : i1 to i32
      %cond3A_129 = arith.constant 0 : i32
      %cond3A_130 = arith.cmpi ne, %convert_element_type3A_128, %cond3A_129 : i32
      scf.if %cond3A_130 {
        %max3A = arith.constant 0 : i32
        %max3A_211 = arith.maxsi %sub3A_125, %max3A : i32
        %dma_wait3A_212 = arith.constant 0 : i32
        %dma_wait3A_213 = tpu.memref_slice %arg7[%max3A_211, %dma_wait3A_212] : memref<160x128xi32, #tpu.memory_space<vmem>> -> memref<1x128xi32, #tpu.memory_space<vmem>>
        %dma_wait3A_214 = tpu.memref_squeeze %dma_wait3A_213 : memref<1x128xi32, #tpu.memory_space<vmem>> -> memref<128xi32, #tpu.memory_space<vmem>>
        %dma_wait3A_215 = arith.constant 0 : i32
        %dma_wait3A_216 = arith.constant 0 : i32
        %dma_wait3A_217 = tpu.memref_slice %arg13[%dma_wait3A_215, %dma_wait3A_216] : memref<10112x64xf32, #tpu.memory_space<vmem_shared>> -> memref<10112x64xf32, #tpu.memory_space<vmem_shared>>
        tpu.wait_indirect_dma semaphore(%arg20 : memref<!tpu.dma_semaphore, #tpu.memory_space<semaphore_mem>>) src(%arg9 : memref<128x64xf32, #tpu.memory_space<vmem>>) dst(%dma_wait3A_217 : memref<10112x64xf32, #tpu.memory_space<vmem_shared>>)
      } else {
      }
      %add3A_131 = arith.constant 4 : i32
      %add3A_132 = arith.addi %add3A_121, %add3A_131 : i32
      %lt3A_133 = arith.constant 160 : i32
      %lt3A_134 = arith.cmpi slt, %add3A_132, %lt3A_133 : i32
      %convert_element_type3A_135 = arith.extui %lt3A_134 : i1 to i32
      %cond3A_136 = arith.constant 0 : i32
      %cond3A_137 = arith.cmpi ne, %convert_element_type3A_135, %cond3A_136 : i32
      scf.if %cond3A_137 {
        %add3A_211 = arith.constant 4 : i32
        %add3A_212 = arith.addi %add3A_121, %add3A_211 : i32
        %dma_start3A_213 = arith.constant 0 : i32
        %dma_start3A_214 = tpu.memref_slice %arg6[%add3A_212, %dma_start3A_213] : memref<160x128xi32, #tpu.memory_space<vmem>> -> memref<1x128xi32, #tpu.memory_space<vmem>>
        %dma_start3A_215 = tpu.memref_squeeze %dma_start3A_214 : memref<1x128xi32, #tpu.memory_space<vmem>> -> memref<128xi32, #tpu.memory_space<vmem>>
        %dma_start3A_216 = arith.constant 0 : i32
        %dma_start3A_217 = arith.constant 0 : i32
        %dma_start3A_218 = tpu.memref_slice %arg2[%dma_start3A_216, %dma_start3A_217] : memref<20224x64xf32, #tpu.memory_space<hbm>> -> memref<20224x64xf32, #tpu.memory_space<hbm>>
        tpu.enqueue_indirect_dma source(%dma_start3A_218 : memref<20224x64xf32, #tpu.memory_space<hbm>>) target(%arg9 : memref<128x64xf32, #tpu.memory_space<vmem>>) offsets(%dma_start3A_215 : memref<128xi32, #tpu.memory_space<vmem>>) semaphore(%arg15 : memref<!tpu.dma_semaphore, #tpu.memory_space<semaphore_mem>>)
      } else {
      }
      %dma_wait3A_138 = arith.constant 0 : i32
      %dma_wait3A_139 = tpu.memref_slice %arg6[%add3A_121, %dma_wait3A_138] : memref<160x128xi32, #tpu.memory_space<vmem>> -> memref<1x128xi32, #tpu.memory_space<vmem>>
      %dma_wait3A_140 = tpu.memref_squeeze %dma_wait3A_139 : memref<1x128xi32, #tpu.memory_space<vmem>> -> memref<128xi32, #tpu.memory_space<vmem>>
      %dma_wait3A_141 = arith.constant 0 : i32
      %dma_wait3A_142 = arith.constant 0 : i32
      %dma_wait3A_143 = tpu.memref_slice %arg2[%dma_wait3A_141, %dma_wait3A_142] : memref<20224x64xf32, #tpu.memory_space<hbm>> -> memref<20224x64xf32, #tpu.memory_space<hbm>>
      tpu.wait_indirect_dma semaphore(%arg16 : memref<!tpu.dma_semaphore, #tpu.memory_space<semaphore_mem>>) src(%dma_wait3A_143 : memref<20224x64xf32, #tpu.memory_space<hbm>>) dst(%arg10 : memref<128x64xf32, #tpu.memory_space<vmem>>)
      %dma_start3A_144 = arith.constant 0 : i32
      %dma_start3A_145 = tpu.memref_slice %arg7[%add3A_121, %dma_start3A_144] : memref<160x128xi32, #tpu.memory_space<vmem>> -> memref<1x128xi32, #tpu.memory_space<vmem>>
      %dma_start3A_146 = tpu.memref_squeeze %dma_start3A_145 : memref<1x128xi32, #tpu.memory_space<vmem>> -> memref<128xi32, #tpu.memory_space<vmem>>
      %dma_start3A_147 = arith.constant 0 : i32
      %dma_start3A_148 = arith.constant 0 : i32
      %dma_start3A_149 = tpu.memref_slice %arg13[%dma_start3A_147, %dma_start3A_148] : memref<10112x64xf32, #tpu.memory_space<vmem_shared>> -> memref<10112x64xf32, #tpu.memory_space<vmem_shared>>
      tpu.enqueue_indirect_dma source(%arg10 : memref<128x64xf32, #tpu.memory_space<vmem>>) target(%dma_start3A_149 : memref<10112x64xf32, #tpu.memory_space<vmem_shared>>) offsets(%dma_start3A_146 : memref<128xi32, #tpu.memory_space<vmem>>) semaphore(%arg21 : memref<!tpu.dma_semaphore, #tpu.memory_space<semaphore_mem>>) {add = true}
      %add3A_150 = arith.constant 3 : i32
      %add3A_151 = arith.addi %mul3A_64, %add3A_150 : i32
      %add3A_152 = arith.constant 4 : i32
      %add3A_153 = arith.addi %add3A_151, %add3A_152 : i32
      %sub3A_154 = arith.constant 5 : i32
      %sub3A_155 = arith.subi %add3A_153, %sub3A_154 : i32
      %ge3A_156 = arith.constant 0 : i32
      %ge3A_157 = arith.cmpi sge, %sub3A_155, %ge3A_156 : i32
      %convert_element_type3A_158 = arith.extui %ge3A_157 : i1 to i32
      %cond3A_159 = arith.constant 0 : i32
      %cond3A_160 = arith.cmpi ne, %convert_element_type3A_158, %cond3A_159 : i32
      scf.if %cond3A_160 {
        %max3A = arith.constant 0 : i32
        %max3A_211 = arith.maxsi %sub3A_155, %max3A : i32
        %dma_wait3A_212 = arith.constant 0 : i32
        %dma_wait3A_213 = tpu.memref_slice %arg7[%max3A_211, %dma_wait3A_212] : memref<160x128xi32, #tpu.memory_space<vmem>> -> memref<1x128xi32, #tpu.memory_space<vmem>>
        %dma_wait3A_214 = tpu.memref_squeeze %dma_wait3A_213 : memref<1x128xi32, #tpu.memory_space<vmem>> -> memref<128xi32, #tpu.memory_space<vmem>>
        %dma_wait3A_215 = arith.constant 0 : i32
        %dma_wait3A_216 = arith.constant 0 : i32
        %dma_wait3A_217 = tpu.memref_slice %arg13[%dma_wait3A_215, %dma_wait3A_216] : memref<10112x64xf32, #tpu.memory_space<vmem_shared>> -> memref<10112x64xf32, #tpu.memory_space<vmem_shared>>
        tpu.wait_indirect_dma semaphore(%arg21 : memref<!tpu.dma_semaphore, #tpu.memory_space<semaphore_mem>>) src(%arg10 : memref<128x64xf32, #tpu.memory_space<vmem>>) dst(%dma_wait3A_217 : memref<10112x64xf32, #tpu.memory_space<vmem_shared>>)
      } else {
      }
      %add3A_161 = arith.constant 4 : i32
      %add3A_162 = arith.addi %add3A_151, %add3A_161 : i32
      %lt3A_163 = arith.constant 160 : i32
      %lt3A_164 = arith.cmpi slt, %add3A_162, %lt3A_163 : i32
      %convert_element_type3A_165 = arith.extui %lt3A_164 : i1 to i32
      %cond3A_166 = arith.constant 0 : i32
      %cond3A_167 = arith.cmpi ne, %convert_element_type3A_165, %cond3A_166 : i32
      scf.if %cond3A_167 {
        %add3A_211 = arith.constant 4 : i32
        %add3A_212 = arith.addi %add3A_151, %add3A_211 : i32
        %dma_start3A_213 = arith.constant 0 : i32
        %dma_start3A_214 = tpu.memref_slice %arg6[%add3A_212, %dma_start3A_213] : memref<160x128xi32, #tpu.memory_space<vmem>> -> memref<1x128xi32, #tpu.memory_space<vmem>>
        %dma_start3A_215 = tpu.memref_squeeze %dma_start3A_214 : memref<1x128xi32, #tpu.memory_space<vmem>> -> memref<128xi32, #tpu.memory_space<vmem>>
        %dma_start3A_216 = arith.constant 0 : i32
        %dma_start3A_217 = arith.constant 0 : i32
        %dma_start3A_218 = tpu.memref_slice %arg2[%dma_start3A_216, %dma_start3A_217] : memref<20224x64xf32, #tpu.memory_space<hbm>> -> memref<20224x64xf32, #tpu.memory_space<hbm>>
        tpu.enqueue_indirect_dma source(%dma_start3A_218 : memref<20224x64xf32, #tpu.memory_space<hbm>>) target(%arg10 : memref<128x64xf32, #tpu.memory_space<vmem>>) offsets(%dma_start3A_215 : memref<128xi32, #tpu.memory_space<vmem>>) semaphore(%arg16 : memref<!tpu.dma_semaphore, #tpu.memory_space<semaphore_mem>>)
      } else {
      }
      %dma_wait3A_168 = arith.constant 0 : i32
      %dma_wait3A_169 = tpu.memref_slice %arg6[%add3A_151, %dma_wait3A_168] : memref<160x128xi32, #tpu.memory_space<vmem>> -> memref<1x128xi32, #tpu.memory_space<vmem>>
      %dma_wait3A_170 = tpu.memref_squeeze %dma_wait3A_169 : memref<1x128xi32, #tpu.memory_space<vmem>> -> memref<128xi32, #tpu.memory_space<vmem>>
      %dma_wait3A_171 = arith.constant 0 : i32
      %dma_wait3A_172 = arith.constant 0 : i32
      %dma_wait3A_173 = tpu.memref_slice %arg2[%dma_wait3A_171, %dma_wait3A_172] : memref<20224x64xf32, #tpu.memory_space<hbm>> -> memref<20224x64xf32, #tpu.memory_space<hbm>>
      tpu.wait_indirect_dma semaphore(%arg17 : memref<!tpu.dma_semaphore, #tpu.memory_space<semaphore_mem>>) src(%dma_wait3A_173 : memref<20224x64xf32, #tpu.memory_space<hbm>>) dst(%arg11 : memref<128x64xf32, #tpu.memory_space<vmem>>)
      %dma_start3A_174 = arith.constant 0 : i32
      %dma_start3A_175 = tpu.memref_slice %arg7[%add3A_151, %dma_start3A_174] : memref<160x128xi32, #tpu.memory_space<vmem>> -> memref<1x128xi32, #tpu.memory_space<vmem>>
      %dma_start3A_176 = tpu.memref_squeeze %dma_start3A_175 : memref<1x128xi32, #tpu.memory_space<vmem>> -> memref<128xi32, #tpu.memory_space<vmem>>
      %dma_start3A_177 = arith.constant 0 : i32
      %dma_start3A_178 = arith.constant 0 : i32
      %dma_start3A_179 = tpu.memref_slice %arg13[%dma_start3A_177, %dma_start3A_178] : memref<10112x64xf32, #tpu.memory_space<vmem_shared>> -> memref<10112x64xf32, #tpu.memory_space<vmem_shared>>
      tpu.enqueue_indirect_dma source(%arg11 : memref<128x64xf32, #tpu.memory_space<vmem>>) target(%dma_start3A_179 : memref<10112x64xf32, #tpu.memory_space<vmem_shared>>) offsets(%dma_start3A_176 : memref<128xi32, #tpu.memory_space<vmem>>) semaphore(%arg22 : memref<!tpu.dma_semaphore, #tpu.memory_space<semaphore_mem>>) {add = true}
      %add3A_180 = arith.constant 4 : i32
      %add3A_181 = arith.addi %mul3A_64, %add3A_180 : i32
      %add3A_182 = arith.constant 4 : i32
      %add3A_183 = arith.addi %add3A_181, %add3A_182 : i32
      %sub3A_184 = arith.constant 5 : i32
      %sub3A_185 = arith.subi %add3A_183, %sub3A_184 : i32
      %ge3A_186 = arith.constant 0 : i32
      %ge3A_187 = arith.cmpi sge, %sub3A_185, %ge3A_186 : i32
      %convert_element_type3A_188 = arith.extui %ge3A_187 : i1 to i32
      %cond3A_189 = arith.constant 0 : i32
      %cond3A_190 = arith.cmpi ne, %convert_element_type3A_188, %cond3A_189 : i32
      scf.if %cond3A_190 {
        %max3A = arith.constant 0 : i32
        %max3A_211 = arith.maxsi %sub3A_185, %max3A : i32
        %dma_wait3A_212 = arith.constant 0 : i32
        %dma_wait3A_213 = tpu.memref_slice %arg7[%max3A_211, %dma_wait3A_212] : memref<160x128xi32, #tpu.memory_space<vmem>> -> memref<1x128xi32, #tpu.memory_space<vmem>>
        %dma_wait3A_214 = tpu.memref_squeeze %dma_wait3A_213 : memref<1x128xi32, #tpu.memory_space<vmem>> -> memref<128xi32, #tpu.memory_space<vmem>>
        %dma_wait3A_215 = arith.constant 0 : i32
        %dma_wait3A_216 = arith.constant 0 : i32
        %dma_wait3A_217 = tpu.memref_slice %arg13[%dma_wait3A_215, %dma_wait3A_216] : memref<10112x64xf32, #tpu.memory_space<vmem_shared>> -> memref<10112x64xf32, #tpu.memory_space<vmem_shared>>
        tpu.wait_indirect_dma semaphore(%arg22 : memref<!tpu.dma_semaphore, #tpu.memory_space<semaphore_mem>>) src(%arg11 : memref<128x64xf32, #tpu.memory_space<vmem>>) dst(%dma_wait3A_217 : memref<10112x64xf32, #tpu.memory_space<vmem_shared>>)
      } else {
      }
      %add3A_191 = arith.constant 4 : i32
      %add3A_192 = arith.addi %add3A_181, %add3A_191 : i32
      %lt3A_193 = arith.constant 160 : i32
      %lt3A_194 = arith.cmpi slt, %add3A_192, %lt3A_193 : i32
      %convert_element_type3A_195 = arith.extui %lt3A_194 : i1 to i32
      %cond3A_196 = arith.constant 0 : i32
      %cond3A_197 = arith.cmpi ne, %convert_element_type3A_195, %cond3A_196 : i32
      scf.if %cond3A_197 {
        %add3A_211 = arith.constant 4 : i32
        %add3A_212 = arith.addi %add3A_181, %add3A_211 : i32
        %dma_start3A_213 = arith.constant 0 : i32
        %dma_start3A_214 = tpu.memref_slice %arg6[%add3A_212, %dma_start3A_213] : memref<160x128xi32, #tpu.memory_space<vmem>> -> memref<1x128xi32, #tpu.memory_space<vmem>>
        %dma_start3A_215 = tpu.memref_squeeze %dma_start3A_214 : memref<1x128xi32, #tpu.memory_space<vmem>> -> memref<128xi32, #tpu.memory_space<vmem>>
        %dma_start3A_216 = arith.constant 0 : i32
        %dma_start3A_217 = arith.constant 0 : i32
        %dma_start3A_218 = tpu.memref_slice %arg2[%dma_start3A_216, %dma_start3A_217] : memref<20224x64xf32, #tpu.memory_space<hbm>> -> memref<20224x64xf32, #tpu.memory_space<hbm>>
        tpu.enqueue_indirect_dma source(%dma_start3A_218 : memref<20224x64xf32, #tpu.memory_space<hbm>>) target(%arg11 : memref<128x64xf32, #tpu.memory_space<vmem>>) offsets(%dma_start3A_215 : memref<128xi32, #tpu.memory_space<vmem>>) semaphore(%arg17 : memref<!tpu.dma_semaphore, #tpu.memory_space<semaphore_mem>>)
      } else {
      }
      %dma_wait3A_198 = arith.constant 0 : i32
      %dma_wait3A_199 = tpu.memref_slice %arg6[%add3A_181, %dma_wait3A_198] : memref<160x128xi32, #tpu.memory_space<vmem>> -> memref<1x128xi32, #tpu.memory_space<vmem>>
      %dma_wait3A_200 = tpu.memref_squeeze %dma_wait3A_199 : memref<1x128xi32, #tpu.memory_space<vmem>> -> memref<128xi32, #tpu.memory_space<vmem>>
      %dma_wait3A_201 = arith.constant 0 : i32
      %dma_wait3A_202 = arith.constant 0 : i32
      %dma_wait3A_203 = tpu.memref_slice %arg2[%dma_wait3A_201, %dma_wait3A_202] : memref<20224x64xf32, #tpu.memory_space<hbm>> -> memref<20224x64xf32, #tpu.memory_space<hbm>>
      tpu.wait_indirect_dma semaphore(%arg18 : memref<!tpu.dma_semaphore, #tpu.memory_space<semaphore_mem>>) src(%dma_wait3A_203 : memref<20224x64xf32, #tpu.memory_space<hbm>>) dst(%arg12 : memref<128x64xf32, #tpu.memory_space<vmem>>)
      %dma_start3A_204 = arith.constant 0 : i32
      %dma_start3A_205 = tpu.memref_slice %arg7[%add3A_181, %dma_start3A_204] : memref<160x128xi32, #tpu.memory_space<vmem>> -> memref<1x128xi32, #tpu.memory_space<vmem>>
      %dma_start3A_206 = tpu.memref_squeeze %dma_start3A_205 : memref<1x128xi32, #tpu.memory_space<vmem>> -> memref<128xi32, #tpu.memory_space<vmem>>
      %dma_start3A_207 = arith.constant 0 : i32
      %dma_start3A_208 = arith.constant 0 : i32
      %dma_start3A_209 = tpu.memref_slice %arg13[%dma_start3A_207, %dma_start3A_208] : memref<10112x64xf32, #tpu.memory_space<vmem_shared>> -> memref<10112x64xf32, #tpu.memory_space<vmem_shared>>
      tpu.enqueue_indirect_dma source(%arg12 : memref<128x64xf32, #tpu.memory_space<vmem>>) target(%dma_start3A_209 : memref<10112x64xf32, #tpu.memory_space<vmem_shared>>) offsets(%dma_start3A_206 : memref<128xi32, #tpu.memory_space<vmem>>) semaphore(%arg23 : memref<!tpu.dma_semaphore, #tpu.memory_space<semaphore_mem>>) {add = true}
      %scan3A_210 = arith.constant 0 : i32
      scf.yield %scan3A_210 : i32
    }
    %scan3A_53 = arith.constant 32 : i32
    %dma_wait3A = arith.constant 159 : i32
    %dma_wait3A_54 = arith.constant 0 : i32
    %dma_wait3A_55 = tpu.memref_slice %arg7[%dma_wait3A, %dma_wait3A_54] : memref<160x128xi32, #tpu.memory_space<vmem>> -> memref<1x128xi32, #tpu.memory_space<vmem>>
    %dma_wait3A_56 = tpu.memref_squeeze %dma_wait3A_55 : memref<1x128xi32, #tpu.memory_space<vmem>> -> memref<128xi32, #tpu.memory_space<vmem>>
    %dma_wait3A_57 = arith.constant 0 : i32
    %dma_wait3A_58 = arith.constant 0 : i32
    %dma_wait3A_59 = tpu.memref_slice %arg13[%dma_wait3A_57, %dma_wait3A_58] : memref<10112x64xf32, #tpu.memory_space<vmem_shared>> -> memref<10112x64xf32, #tpu.memory_space<vmem_shared>>
    tpu.wait_indirect_dma semaphore(%arg23 : memref<!tpu.dma_semaphore, #tpu.memory_space<semaphore_mem>>) src(%arg12 : memref<128x64xf32, #tpu.memory_space<vmem>>) dst(%dma_wait3A_59 : memref<10112x64xf32, #tpu.memory_space<vmem_shared>>)
    %barrier3A_60 = arith.constant 0 : index
    tpu.barrier barrier_id(%barrier3A_60)
    "tpu.region"() ({
      %run_scoped3A = tpu.sem_alloc : memref<!tpu.dma_semaphore, #tpu.memory_space<semaphore_mem>>
      %dma_start3A_61 = arith.constant 0 : i32
      %dma_start3A_62 = tpu.memref_slice %arg5[%arg0, %mul3A_6, %dma_start3A_61] : memref<2x10112x64xf32, #tpu.memory_space<hbm>> -> memref<1x632x64xf32, #tpu.memory_space<hbm>>
      %dma_start3A_63 = tpu.memref_squeeze %dma_start3A_62 : memref<1x632x64xf32, #tpu.memory_space<hbm>> -> memref<632x64xf32, #tpu.memory_space<hbm>>
      %dma_start3A_64 = arith.constant 0 : i32
      %dma_start3A_65 = tpu.memref_slice %arg13[%mul3A_6, %dma_start3A_64] : memref<10112x64xf32, #tpu.memory_space<vmem_shared>> -> memref<632x64xf32, #tpu.memory_space<vmem_shared>>
      tpu.enqueue_dma source(%dma_start3A_65 : memref<632x64xf32, #tpu.memory_space<vmem_shared>>) target(%dma_start3A_63 : memref<632x64xf32, #tpu.memory_space<hbm>>) target_semaphore(%run_scoped3A : memref<!tpu.dma_semaphore, #tpu.memory_space<semaphore_mem>>)
      %dma_wait3A_66 = arith.constant 0 : i32
      %dma_wait3A_67 = tpu.memref_slice %arg5[%arg0, %mul3A_6, %dma_wait3A_66] : memref<2x10112x64xf32, #tpu.memory_space<hbm>> -> memref<1x632x64xf32, #tpu.memory_space<hbm>>
      %dma_wait3A_68 = tpu.memref_squeeze %dma_wait3A_67 : memref<1x632x64xf32, #tpu.memory_space<hbm>> -> memref<632x64xf32, #tpu.memory_space<hbm>>
      %dma_wait3A_69 = arith.constant 0 : i32
      %dma_wait3A_70 = tpu.memref_slice %arg13[%mul3A_6, %dma_wait3A_69] : memref<10112x64xf32, #tpu.memory_space<vmem_shared>> -> memref<632x64xf32, #tpu.memory_space<vmem_shared>>
      tpu.wait_dma2 semaphore(%run_scoped3A : memref<!tpu.dma_semaphore, #tpu.memory_space<semaphore_mem>>) src(%dma_wait3A_70 : memref<632x64xf32, #tpu.memory_space<vmem_shared>>) dst(%dma_wait3A_68 : memref<632x64xf32, #tpu.memory_space<hbm>>)
      tpu.yield
    }) : () -> ()
    return
  }
}

module attributes {stable_mosaic.version = 14 : i64} {
  func.func @_tc_xw_body(%arg0: memref<10112x128xf32, #tpu.memory_space<vmem>>, %arg1: memref<128x128xf32, #tpu.memory_space<vmem>>, %arg2: memref<384x128xf32, #tpu.memory_space<vmem>>, %arg3: memref<384x128xf32, #tpu.memory_space<vmem>>, %arg4: memref<1x384xf32, #tpu.memory_space<vmem>>, %arg5: memref<1x384xf32, #tpu.memory_space<vmem>>, %arg6: memref<10112x128xf32, #tpu.memory_space<vmem>>) attributes {dimension_semantics = [], scalar_prefetch = 0 : i64, scratch_operands = 0 : i64, tpu.core_type = #tpu.core_type<tc>} {
    %get3A = arith.constant 0 : index
    %get3A_0 = arith.constant 0 : index
    %get3A_1 = vector.load %arg1[%get3A, %get3A_0] : memref<128x128xf32, #tpu.memory_space<vmem>>, vector<128x128xf32>
    %get3A_2 = arith.constant 0 : index
    %get3A_3 = arith.constant 0 : index
    %get3A_4 = vector.load %arg2[%get3A_2, %get3A_3] : memref<384x128xf32, #tpu.memory_space<vmem>>, vector<384x128xf32>
    %dot_general3A = arith.constant dense<0.000000e+00> : vector<128x384xf32>
    %dot_general3A_5 = tpu.matmul %get3A_1, %get3A_4, %dot_general3A {dimension_numbers = #tpu.dot_dimension_numbers<[1], [1], [0], [0], [0, 0, 1, 0], [], []>, transpose_lhs_hint = false} : vector<128x128xf32>, vector<384x128xf32>, vector<128x384xf32> -> vector<128x384xf32>
    %get3A_6 = arith.constant 0 : index
    %get3A_7 = arith.constant 0 : index
    %get3A_8 = vector.load %arg4[%get3A_6, %get3A_7] : memref<1x384xf32, #tpu.memory_space<vmem>>, vector<1x384xf32>
    %add3A = vector.broadcast %get3A_8 : vector<1x384xf32> to vector<128x384xf32>
    %add3A_9 = arith.addf %dot_general3A_5, %add3A : vector<128x384xf32>
    %get3A_10 = arith.constant 0 : index
    %get3A_11 = arith.constant 0 : index
    %get3A_12 = vector.load %arg3[%get3A_10, %get3A_11] : memref<384x128xf32, #tpu.memory_space<vmem>>, vector<384x128xf32>
    %dot_general3A_13 = arith.constant dense<0.000000e+00> : vector<128x384xf32>
    %dot_general3A_14 = tpu.matmul %get3A_1, %get3A_12, %dot_general3A_13 {dimension_numbers = #tpu.dot_dimension_numbers<[1], [1], [0], [0], [0, 0, 1, 0], [], []>, transpose_lhs_hint = false} : vector<128x128xf32>, vector<384x128xf32>, vector<128x384xf32> -> vector<128x384xf32>
    %get3A_15 = arith.constant 0 : index
    %get3A_16 = arith.constant 0 : index
    %get3A_17 = vector.load %arg5[%get3A_15, %get3A_16] : memref<1x384xf32, #tpu.memory_space<vmem>>, vector<1x384xf32>
    %add3A_18 = vector.broadcast %get3A_17 : vector<1x384xf32> to vector<128x384xf32>
    %add3A_19 = arith.addf %dot_general3A_14, %add3A_18 : vector<128x384xf32>
    %slice3A = vector.extract_strided_slice %add3A_9 {offsets = [0, 0], sizes = [128, 128], strides = [1, 1]} : vector<128x384xf32> to vector<128x128xf32>
    %slice3A_20 = vector.extract_strided_slice %add3A_9 {offsets = [0, 128], sizes = [128, 128], strides = [1, 1]} : vector<128x384xf32> to vector<128x128xf32>
    %slice3A_21 = vector.extract_strided_slice %add3A_9 {offsets = [0, 256], sizes = [128, 128], strides = [1, 1]} : vector<128x384xf32> to vector<128x128xf32>
    %slice3A_22 = vector.extract_strided_slice %add3A_19 {offsets = [0, 0], sizes = [128, 128], strides = [1, 1]} : vector<128x384xf32> to vector<128x128xf32>
    %slice3A_23 = vector.extract_strided_slice %add3A_19 {offsets = [0, 128], sizes = [128, 128], strides = [1, 1]} : vector<128x384xf32> to vector<128x128xf32>
    %slice3A_24 = vector.extract_strided_slice %add3A_19 {offsets = [0, 256], sizes = [128, 128], strides = [1, 1]} : vector<128x384xf32> to vector<128x128xf32>
    %add3A_25 = arith.addf %slice3A, %slice3A_22 : vector<128x128xf32>
    %logistic3A = arith.negf %add3A_25 : vector<128x128xf32>
    %logistic3A_26 = math.exp %logistic3A : vector<128x128xf32>
    %logistic3A_27 = arith.constant 1.000000e+00 : f32
    %logistic3A_28 = vector.broadcast %logistic3A_27 : f32 to vector<128x128xf32>
    %logistic3A_29 = arith.addf %logistic3A_28, %logistic3A_26 : vector<128x128xf32>
    %logistic3A_30 = arith.divf %logistic3A_28, %logistic3A_29 : vector<128x128xf32>
    %add3A_31 = arith.addf %slice3A_20, %slice3A_23 : vector<128x128xf32>
    %logistic3A_32 = arith.negf %add3A_31 : vector<128x128xf32>
    %logistic3A_33 = math.exp %logistic3A_32 : vector<128x128xf32>
    %logistic3A_34 = arith.constant 1.000000e+00 : f32
    %logistic3A_35 = vector.broadcast %logistic3A_34 : f32 to vector<128x128xf32>
    %logistic3A_36 = arith.addf %logistic3A_35, %logistic3A_33 : vector<128x128xf32>
    %logistic3A_37 = arith.divf %logistic3A_35, %logistic3A_36 : vector<128x128xf32>
    %mul3A = arith.mulf %logistic3A_30, %slice3A_24 : vector<128x128xf32>
    %add3A_38 = arith.addf %slice3A_21, %mul3A : vector<128x128xf32>
    %tanh3A = math.tanh %add3A_38 : vector<128x128xf32>
    %sub3A = arith.constant 1.000000e+00 : f32
    %sub3A_39 = vector.broadcast %sub3A : f32 to vector<128x128xf32>
    %sub3A_40 = arith.subf %sub3A_39, %logistic3A_37 : vector<128x128xf32>
    %mul3A_41 = arith.mulf %sub3A_40, %tanh3A : vector<128x128xf32>
    %mul3A_42 = arith.mulf %logistic3A_37, %get3A_1 : vector<128x128xf32>
    %add3A_43 = arith.addf %mul3A_41, %mul3A_42 : vector<128x128xf32>
    %get3A_44 = arith.constant 0 : index
    %get3A_45 = arith.constant 0 : index
    %get3A_46 = vector.load %arg0[%get3A_44, %get3A_45] : memref<10112x128xf32, #tpu.memory_space<vmem>>, vector<10112x128xf32>
    %dot_general3A_47 = arith.constant dense<0.000000e+00> : vector<10112x128xf32>
    %dot_general3A_48 = tpu.matmul %get3A_46, %add3A_43, %dot_general3A_47 {dimension_numbers = #tpu.dot_dimension_numbers<[1], [0], [0], [1], [0, 0, 1, 1], [], []>, transpose_lhs_hint = false} : vector<10112x128xf32>, vector<128x128xf32>, vector<10112x128xf32> -> vector<10112x128xf32>
    %swap3A = arith.constant 0 : index
    %swap3A_49 = arith.constant 0 : index
    %swap3A_50 = vector.load %arg6[%swap3A, %swap3A_49] : memref<10112x128xf32, #tpu.memory_space<vmem>>, vector<10112x128xf32>
    tpu.vector_store %arg6[%swap3A, %swap3A_49], %dot_general3A_48 {strides = array<i32>} : memref<10112x128xf32, #tpu.memory_space<vmem>>, vector<10112x128xf32>,
    return
  }
}

module attributes {stable_mosaic.version = 14 : i64} {
  func.func @_tc_scale_body(%arg0: memref<10112x128xf32, #tpu.memory_space<vmem>>, %arg1: memref<2x10112x16xf32, #tpu.memory_space<vmem>>, %arg2: memref<10112x128xf32, #tpu.memory_space<vmem>>) attributes {dimension_semantics = [], scalar_prefetch = 0 : i64, scratch_operands = 0 : i64, tpu.core_type = #tpu.core_type<tc>} {
    %get3A = arith.constant 0 : index
    %get3A_0 = arith.constant 0 : index
    %get3A_1 = arith.constant 0 : index
    %get3A_2 = vector.load %arg1[%get3A, %get3A_0, %get3A_1] : memref<2x10112x16xf32, #tpu.memory_space<vmem>>, vector<1x10112x16xf32>
    %get3A_3 = vector.shape_cast %get3A_2 : vector<1x10112x16xf32> to vector<10112x16xf32>
    %get3A_4 = arith.constant 1 : index
    %get3A_5 = arith.constant 0 : index
    %get3A_6 = arith.constant 0 : index
    %get3A_7 = vector.load %arg1[%get3A_4, %get3A_5, %get3A_6] : memref<2x10112x16xf32, #tpu.memory_space<vmem>>, vector<1x10112x16xf32>
    %get3A_8 = vector.shape_cast %get3A_7 : vector<1x10112x16xf32> to vector<10112x16xf32>
    %add3A = arith.addf %get3A_3, %get3A_8 : vector<10112x16xf32>
    %add3A_9 = arith.constant 1.000000e+00 : f32
    %add3A_10 = vector.broadcast %add3A_9 : f32 to vector<10112x16xf32>
    %add3A_11 = arith.addf %add3A, %add3A_10 : vector<10112x16xf32>
    %rsqrt3A = math.rsqrt %add3A_11 : vector<10112x16xf32>
    %slice3A = vector.extract_strided_slice %rsqrt3A {offsets = [0, 0], sizes = [10112, 1], strides = [1, 1]} : vector<10112x16xf32> to vector<10112x1xf32>
    %get3A_12 = arith.constant 0 : index
    %get3A_13 = arith.constant 0 : index
    %get3A_14 = vector.load %arg0[%get3A_12, %get3A_13] : memref<10112x128xf32, #tpu.memory_space<vmem>>, vector<10112x128xf32>
    %mul3A = vector.broadcast %slice3A : vector<10112x1xf32> to vector<10112x128xf32>
    %mul3A_15 = arith.mulf %get3A_14, %mul3A : vector<10112x128xf32>
    %swap3A = arith.constant 0 : index
    %swap3A_16 = arith.constant 0 : index
    %swap3A_17 = vector.load %arg2[%swap3A, %swap3A_16] : memref<10112x128xf32, #tpu.memory_space<vmem>>, vector<10112x128xf32>
    tpu.vector_store %arg2[%swap3A, %swap3A_16], %mul3A_15 {strides = array<i32>} : memref<10112x128xf32, #tpu.memory_space<vmem>>, vector<10112x128xf32>,
    return
  }
}

module attributes {stable_mosaic.version = 14 : i64} {
  func.func @_tc_fin_body(%arg0: memref<2x10112x64xf32, #tpu.memory_space<vmem>>, %arg1: memref<10112x128xf32, #tpu.memory_space<vmem>>, %arg2: memref<2x10112x16xf32, #tpu.memory_space<vmem>>, %arg3: memref<10000x128xf32, #tpu.memory_space<vmem>>) attributes {dimension_semantics = [], scalar_prefetch = 0 : i64, scratch_operands = 0 : i64, tpu.core_type = #tpu.core_type<tc>} {
    %get3A = arith.constant 0 : index
    %get3A_0 = arith.constant 0 : index
    %get3A_1 = arith.constant 0 : index
    %get3A_2 = vector.load %arg2[%get3A, %get3A_0, %get3A_1] : memref<2x10112x16xf32, #tpu.memory_space<vmem>>, vector<1x10112x16xf32>
    %get3A_3 = vector.shape_cast %get3A_2 : vector<1x10112x16xf32> to vector<10112x16xf32>
    %get3A_4 = arith.constant 1 : index
    %get3A_5 = arith.constant 0 : index
    %get3A_6 = arith.constant 0 : index
    %get3A_7 = vector.load %arg2[%get3A_4, %get3A_5, %get3A_6] : memref<2x10112x16xf32, #tpu.memory_space<vmem>>, vector<1x10112x16xf32>
    %get3A_8 = vector.shape_cast %get3A_7 : vector<1x10112x16xf32> to vector<10112x16xf32>
    %add3A = arith.addf %get3A_3, %get3A_8 : vector<10112x16xf32>
    %add3A_9 = arith.constant 1.000000e+00 : f32
    %add3A_10 = vector.broadcast %add3A_9 : f32 to vector<10112x16xf32>
    %add3A_11 = arith.addf %add3A, %add3A_10 : vector<10112x16xf32>
    %rsqrt3A = math.rsqrt %add3A_11 : vector<10112x16xf32>
    %slice3A = vector.extract_strided_slice %rsqrt3A {offsets = [0, 0], sizes = [10112, 1], strides = [1, 1]} : vector<10112x16xf32> to vector<10112x1xf32>
    %get3A_12 = arith.constant 0 : index
    %get3A_13 = arith.constant 0 : index
    %get3A_14 = arith.constant 0 : index
    %get3A_15 = vector.load %arg0[%get3A_12, %get3A_13, %get3A_14] : memref<2x10112x64xf32, #tpu.memory_space<vmem>>, vector<1x10112x64xf32>
    %get3A_16 = vector.shape_cast %get3A_15 : vector<1x10112x64xf32> to vector<10112x64xf32>
    %get3A_17 = arith.constant 1 : index
    %get3A_18 = arith.constant 0 : index
    %get3A_19 = arith.constant 0 : index
    %get3A_20 = vector.load %arg0[%get3A_17, %get3A_18, %get3A_19] : memref<2x10112x64xf32, #tpu.memory_space<vmem>>, vector<1x10112x64xf32>
    %get3A_21 = vector.shape_cast %get3A_20 : vector<1x10112x64xf32> to vector<10112x64xf32>
    %concatenate3A = tpu.concatenate %get3A_16, %get3A_21 in 1 : vector<10112x64xf32>, vector<10112x64xf32> -> vector<10112x128xf32>
    %get3A_22 = arith.constant 0 : index
    %get3A_23 = arith.constant 0 : index
    %get3A_24 = vector.load %arg1[%get3A_22, %get3A_23] : memref<10112x128xf32, #tpu.memory_space<vmem>>, vector<10112x128xf32>
    %add3A_25 = arith.addf %concatenate3A, %get3A_24 : vector<10112x128xf32>
    %mul3A = vector.broadcast %slice3A : vector<10112x1xf32> to vector<10112x128xf32>
    %mul3A_26 = arith.mulf %add3A_25, %mul3A : vector<10112x128xf32>
    %slice3A_27 = vector.extract_strided_slice %mul3A_26 {offsets = [0, 0], sizes = [10000, 128], strides = [1, 1]} : vector<10112x128xf32> to vector<10000x128xf32>
    %swap3A = arith.constant 0 : index
    %swap3A_28 = arith.constant 0 : index
    %swap3A_29 = vector.load %arg3[%swap3A, %swap3A_28] : memref<10000x128xf32, #tpu.memory_space<vmem>>, vector<10000x128xf32>
    tpu.vector_store %arg3[%swap3A, %swap3A_28], %slice3A_27 {strides = array<i32>} : memref<10000x128xf32, #tpu.memory_space<vmem>>, vector<10000x128xf32>,
    return
  }
}

</mosaic_0001>

<sc_bundles>
// kernel: kernel.10.cloned.1.call-start
scs
__scs_entry_jumppad:
0x0: {  	(pc) =	sbr.rel $0x88, $3  }
0x1: {  	(tag) =	ssettag $0x0;
	lr =	simm.s32 $0x1  }
0x2: {  	[smem:$0x3F9A] =	sst lr;
	_ =	strace $0xD0000000  }
0x3: {  	_ = 	snop  }
0x4: {  	_ = 	snop  }
0x5: {  	_ = 	snop  }
0x6: {  	_ = 	snop  }
0x7: {  	_ = 	snop  }
__scs_overlays_trampoline_lowered:
0x8: {  	[smem:$0x3FA9] =	sst s0  }
0x9: {  	[smem:$0x3FAA] =	sst s1  }
0xa: {  	[smem:$0x3FAB] =	sst s2  }
0xb: {  	[smem:$0x3FAC] =	sst s3  }
0xc: {  	[smem:$0x3FAD] =	sst s4  }
0xd: {  	[smem:$0x3FAE] =	sst s5  }
0xe: {  	[smem:$0x3FAF] =	sst s6  }
0xf: {  	[smem:$0x3FB0] =	sst s7  }
0x10: {  	[smem:$0x3FB1] =	sst s8  }
0x11: {  	[smem:$0x3FB2] =	sst s9;
	s0 =	simm.s32 @!p0 $0x0  }
0x12: {  	s1 =	sld [smem:$0x3F98];
	s0 =	simm.s32 @p0 $0x1  }
0x13: {  	[smem:$0x3FB3] =	sst s0;
	s0 =	simm.s32 @!p1 $0x0  }
0x14: {  	s2 =	sld [smem:$0x3F97];
	s0 =	simm.s32 @p1 $0x1  }
0x15: {  	[smem:$0x3FB4] =	sst s0;
	s0 =	simm.s32 @!p2 $0x0  }
0x16: {  	s3 =	sld [smem:$0x3FDB];
	s0 =	simm.s32 @p2 $0x1  }
0x17: {  	s4 =	simm.s32 $0x1BF5;
	[smem:$0x3FB6] =	sst s0  }
0x18: {  	s0 =	sld [smem:$0x3F99];
	_ =	swait.ge [sflag:s4], $0x0  }
0x19: {  	s7 =	sld [smem:$0x3F9A]  }
0x1a: {  	s8 =	sadd.s32 $0xFFFFE003, lr  }
0x1b: {  	s9 =	sadd.s32 $0xFFFFFEF7, lr;
	s5 =	simm.s32 $0xFFFFFFFF;
	p2 =	slt.u32 s8, $0xFFFFF086  }
0x1c: {  	p1 =	slt.u32 s9, $0xF7A;
	s5 =	simm.s32 @!p2 $0x0  }
0x1d: {  	s5 =	simm.s32 @p1 $0x1;
	p0 =	seq.s32 s7, s2  }
0x1e: {  	s7 =	smul.u32 @!p0 $0xF7A, s2;
	p2 =	seq.s32 @!p0 s5, $0x0  }
0x1f: {  	s9 =	smul.u32 $0xF7A, s1;
	s8 =	simm.s32 @!p0 $0x1BF5;
	p2 =	por !p2, p0  }
0x20: {  	[sflag:s8] =	ssyncset.s32 @!p0 $0xFFFFF086;
	s6 =	sadd.s32 @!p0 s3, s7;
	s7 =	simm.s32 @!p0 $0x108  }
0x21: {  	s3 =	sadd.s32 s3, s9;
	s6 =	sadd.s32 @!p0 $0x88, s6;
	s7 =	simm.s32 @p2 $0x1082  }
0x22: {  	[simem:s7], [sflag:s8] =	dma.local @!p0 [hbm:s6], $0xF7A  }
0x23: {  	s9 =	sor.u32 $0xD0000000, s2;
	s6 =	simm.s32 $0x108;
	_ =	swait.ge @!p0 [sflag:s8], $0x0  }
0x24: {  	s3 =	sadd.s32 $0x88, s3;
	s6 =	simm.s32 @!p1 $0x1082;
	[sflag:s4] =	ssyncset.s32 $0xFFFFF086  }
0x25: {  	[simem:s6], [sflag:s4] =	dma.local [hbm:s3], $0xF7A  }
0x26: {  	[smem:$0x3F9A] =	sst s1;
	(tag) =	ssettag s2;
	_ =	strace s9  }
0x27: {  	s1 =	sld [smem:$0x3FAA]  }
0x28: {  	s2 =	sld [smem:$0x3FAB]  }
0x29: {  	s4 =	sld [smem:$0x3FAD]  }
0x2a: {  	p0 =	seq.s32 s5, $0x0;
	s5 =	sld [smem:$0x3FAE]  }
0x2b: {  	s6 =	sld [smem:$0x3FAF]  }
0x2c: {  	s7 =	sld [smem:$0x3FB0]  }
0x2d: {  	s3 =	simm.s32 $0x108;
	s8 =	sld [smem:$0x3FB1]  }
0x2e: {  	s3 =	simm.s32 @!p0 $0x1082;
	s9 =	sld [smem:$0x3FB2]  }
0x2f: {  	lr =	sadd.s32 s0, s3;
	s0 =	sld [smem:$0x3FA9]  }
0x30: {  	s3 =	sld [smem:$0x3FAC]  }
0x31: {  	[smem:$0x3FB5] =	sst s10  }
0x32: {  	s10 =	sld [smem:$0x3FB3];
	_ =	sdelay $0x3  }
0x33: {  	p0 =	seq.s32 s10, $0x1;
	s10 =	sld [smem:$0x3FB5];
	_ =	sdelay $0x3  }
0x34: {  	[smem:$0x3FB5] =	sst s10  }
0x35: {  	s10 =	sld [smem:$0x3FB4];
	_ =	sdelay $0x3  }
0x36: {  	p1 =	seq.s32 s10, $0x1;
	s10 =	sld [smem:$0x3FB5];
	_ =	sdelay $0x3  }
0x37: {  	[smem:$0x3FB5] =	sst s10  }
0x38: {  	s10 =	sld [smem:$0x3FB6]  }
0x39: {  	_ = 	snop;
	(pc) =	sbr.ind lr, $3  }
0x3a: {  	_ = 	snop  }
0x3b: {  	_ = 	snop  }
0x3c: {  	p2 =	seq.s32 s10, $0x1;
	s10 =	sld [smem:$0x3FB5]  }
0x3d: {  	_ =	shalt  }
0x3e: {  	_ =	shalt  }
0x3f: {  	_ =	shalt  }
0x40: {  	_ =	shalt  }
0x41: {  	_ =	shalt  }
0x42: {  	_ =	shalt  }
0x43: {  	_ =	shalt  }
0x44: {  	_ =	shalt  }
0x45: {  	_ =	shalt  }
0x46: {  	_ =	shalt  }
0x47: {  	_ =	shalt  }
0x48: {  	_ =	shalt  }
0x49: {  	_ =	shalt  }
0x4a: {  	_ =	shalt  }
0x4b: {  	_ =	shalt  }
0x4c: {  	_ =	shalt  }
0x4d: {  	_ =	shalt  }
0x4e: {  	_ =	shalt  }
0x4f: {  	_ =	shalt  }
0x50: {  	_ =	shalt  }
0x51: {  	_ =	shalt  }
0x52: {  	_ =	shalt  }
0x53: {  	_ =	shalt  }
0x54: {  	_ =	shalt  }
0x55: {  	_ =	shalt  }
0x56: {  	_ =	shalt  }
0x57: {  	_ =	shalt  }
0x58: {  	_ =	shalt  }
0x59: {  	_ =	shalt  }
0x5a: {  	_ =	shalt  }
0x5b: {  	_ =	shalt  }
0x5c: {  	_ =	shalt  }
0x5d: {  	_ =	shalt  }
0x5e: {  	_ =	shalt  }
0x5f: {  	_ =	shalt  }
0x60: {  	_ =	shalt  }
0x61: {  	_ =	shalt  }
0x62: {  	_ =	shalt  }
0x63: {  	_ =	shalt  }
0x64: {  	_ =	shalt  }
0x65: {  	_ =	shalt  }
0x66: {  	_ =	shalt  }
0x67: {  	_ =	shalt  }
0x68: {  	_ =	shalt  }
0x69: {  	_ =	shalt  }
0x6a: {  	_ =	shalt  }
0x6b: {  	_ =	shalt  }
0x6c: {  	_ =	shalt  }
0x6d: {  	_ =	shalt  }
0x6e: {  	_ =	shalt  }
0x6f: {  	_ =	shalt  }
0x70: {  	_ =	shalt  }
0x71: {  	_ =	shalt  }
0x72: {  	_ =	shalt  }
0x73: {  	_ =	shalt  }
0x74: {  	_ =	shalt  }
0x75: {  	_ =	shalt  }
0x76: {  	_ =	shalt  }
0x77: {  	_ =	shalt  }
0x78: {  	_ =	shalt  }
0x79: {  	_ =	shalt  }
0x7a: {  	_ =	shalt  }
0x7b: {  	_ =	shalt  }
0x7c: {  	_ =	shalt  }
0x7d: {  	_ =	shalt  }
0x7e: {  	_ =	shalt  }
0x7f: {  	_ =	shalt  }
0x80: {  	_ =	shalt  }
0x81: {  	_ =	shalt  }
0x82: {  	_ =	shalt  }
0x83: {  	_ =	shalt  }
0x84: {  	_ =	shalt  }
0x85: {  	_ =	shalt  }
0x86: {  	_ =	shalt  }
0x87: {  	_ =	shalt  }
.Lfunc_end0:
.L_simem_size_0:
called_computation.1_lowered:
.L_overlay_start_0:
0x88: {  	s2 =	sld [smem:$0x3FD9]  }
0x89: {  	s3 =	sld [smem:$0x3FFE];
	_ =	sdelay $0x1  }
0x8a: {  	s1 =	srdreg.scid  }
0x8b: {  	s0 =	sand.u32 $0x1, s1  }
0x8c: {  	s17 =	sshll.u32 s0, $0xA;
	s2 =	sadd.s32 s3, s2  }
0x8d: {  	s2 =	sadd.s32 s2, s17  }
0x8e: {  	[smem:$0x3FC1] =	sst s2  }
0x8f: {  	_ = 	snop  }
0x90: {  	s2 =	sld [smem:$0x3FD0];
	(tm) =	ssettm $0x1  }
0x91: {  	s18 =	sld [smem:$0x3FFB];
	_ =	sdelay $0x3  }
0x92: {  	_ =	strace s18  }
0x93: {  	s3 =	sld [smem:$0x3FFC];
	_ =	sdelay $0x3  }
0x94: {  	_ =	strace s3  }
0x95: {  	s3 =	sld [smem:$0x3FFD];
	_ =	sdelay $0x3  }
0x96: {  	_ =	strace s3  }
0x97: {  	_ =	strace $0x8FFFFFFF  }
0x98: {  	s19 =	sld [smem:$0x3FDB];
	_ =	sdelay $0x1  }
0x99: {  	s4 =	simm.s32 $_scs_section_size  }
0x9a: {  	s5 =	simm.s32 $_size__tile_overlayer_lowered;
	s6 =	simm.s32 $_tile_overlayer_lowered  }
0x9b: {  	s22 =	simm.s32 $0x1BFF;
	s21 =	sshll.u32 s6, $0x1;
	s3 =	sadd.s32 s4, s19  }
0x9c: {  	s7 =	simm.s32 $0x0;
	s20 =	sshll.u32 s5, $0x1;
	s5 =	sadd.s32 s21, s3  }
0x9d: {  	[timem:s7], [sflag:s22] =	dma.local [hbm:s5], s20  }
0x9e: {  	_ =	swait.ge [sflag:s22], s20  }
0x9f: {  	s4 =	ssub.s32 $0x0, s20;
	[sflag:s22] =	ssyncset.done $0x0  }
0xa0: {  	[sflag:s22] =	ssyncadd.s32 s4;
	_ =	sdelay $0x1  }
0xa1: {  	s23 =	simm.s32 $0x1B8B  }
0xa2: {  	_ =	swait.ge [sflag:s23], $0x1  }
0xa3: {  	[sflag:s23] =	ssyncset.done $0x0  }
0xa4: {  	s25 =	simm.s32 $0x1B8E;
	s24 =	sld [smem:$0x3FFE];
	[sflag:s23] =	ssyncadd.s32 $0xFFFFFFFF  }
0xa5: {  	s26 =	simm.s32 $execute0_lowered;
	[smem:$0x3FD2] =	sst s25  }
0xa6: {  	s5 =	sshll.u32 s26, $0x1;
	_ =	strace $0x80000049;
	[dreg:$0x1] =	wrdreg $0xFFFFFFFF  }
0xa7: {  	s28 =	simm.s32 $_size_execute0_lowered;
	s3 =	sadd.s32 s3, s5;
	[dreg:$0x0] =	wrdreg $0x0  }
0xa8: {  	s5 =	sshll.u32 s28, $0x1;
	[dreg:$0x2] =	wrdreg s3  }
0xa9: {  	[dreg:$0x3] =	wrdreg s5  }
0xaa: {  	[dreg:$0x4] =	wrdreg $0xC0  }
0xab: {  	_ =	task [dreg:s7], $0x5FFFF  }
0xac: {  	[dreg:$0x1] =	wrdreg $0xFFFFFFFF  }
0xad: {  	[dreg:$0x0] =	wrdreg $0x60  }
0xae: {  	[dreg:$0x2] =	wrdreg s24  }
0xaf: {  	[dreg:$0x3] =	wrdreg s2  }
0xb0: {  	[dreg:$0x4] =	wrdreg $0x140000  }
0xb1: {  	[dreg:$0x5] =	wrdreg $0x9  }
0xb2: {  	_ =	task.clear_ibuf [dreg:s7], $0x6FFFF;
	_ =	strace $0x90000049  }
0xb3: {  	s29 =	simm.s32 $0x9;
	_ =	strace $0x8000004B  }
0xb4: {  	_ =	swait.ge [sflag:s29], $0x1  }
0xb5: {  	[sflag:s29] =	ssyncadd.s32 $0xFFFFFFFF  }
0xb6: {  	_ =	strace $0x9000004B  }
0xb7: {  	_ =	sfence  }
0xb8: {  	s30 =	sld [smem:$0x0];
	_ =	sdelay $0x2  }
0xb9: {  	s31 =	sshll.u32 s1, $0xD;
	s1 =	sshrl.u32 s1, $0x2  }
0xba: {  	s3 =	sand.u32 $0x4000, s31;
	s1 =	sadd.s32 s1, s30  }
0xbb: {  	s0 =	sor.u32 s3, s0;
	s1 =	sshll.u32 s1, $0x11  }
0xbc: {  	s0 =	sor.u32 s1, s0  }
0xbd: {  	s0 =	sadd.s32 $0x8F2B, s0  }
0xbe: {  	[sflag:s0] =	ssyncadd.remote.s32 $0x1  }
0xbf: {  	_ =	sfence.sel $0xFFFF  }
0xc0: {  	[dreg:$0x0] =	wrdreg $0xFFFFFFFF;
	(pc) =	sbr.abs _section_cstart, $3  }
0xc1: {  	[dreg:$0x1] =	wrdreg $0xFFFFFFFF  }
0xc2: {  	_ =	task.clear_ibuf [dreg:s7], $0x2FFFF;
	_ =	strace $0x9FFFFFFF  }
0xc3: {  	(tm) =	ssettm $0x7FFFFFFF  }
tec
execute0_lowered:
.L_overlay_start_1:
0x0: {  	(tag) =	ssettag $0x1  }
0x1: {  	s0 =	rddreg [dreg:$0x0]  }
0x2: {  	s1 =	rddreg [dreg:$0x1]  }
0x3: {  	s2 =	rddreg [dreg:$0x2]  }
0x4: {  	s10 =	stileid.u32;
	s4 =	srdreg.scid  }
0x5: {  	s3 =	simm.s32 $0x0;
	s15 =	simm.s32 $0xB;
	s16 =	simm.s32 $0x5000  }
0x6: {  	s17 =	simm.s32 $0x80;
	s18 =	simm.s32 $0xC000;
	s20 =	simm.s32 $0xE000  }
0x7: {  	s22 =	simm.s32 $0x10000;
	s29 =	simm.s32 $0x2;
	s31 =	simm.s32 $0x7  }
0x8: {  	s19 =	simm.s32 $0x3;
	s21 =	simm.s32 $0x8;
	s6 =	smul.u32 $0x5000, s10  }
0x9: {  	s28 =	simm.s32 $0x4;
	s23 =	simm.s32 $0x5;
	s7 =	smul.u32 $0x9E00, s10  }
0xa: {  	s5 =	sand.u32 $0x1, s4;
	[smem:$0x7FF] =	sst s3;
	s10 =	smul.u32 $0x27800, s10  }
0xb: {  	s4 =	sadd.s32 $0x5AA00, s0;
	s8 =	smul.u32 $0x9E000, s5;
	_ =	strace $0x8000004A  }
0xc: {  	s24 =	ssub.s32 $0x2, s5;
	s13 =	smul.u32 $0x50000, s5;
	s9 =	sshrl.u32 s6, $0x3  }
0xd: {  	s12 =	sshrl.u32 s24, $0x1;
	s10 =	sshrl.u32 s10, $0x2;
	s5 =	sadd.s32 s7, s2  }
0xe: {  	s8 =	sadd.s32 s7, s8;
	s11 =	sadd.s32 s9, s0;
	s14 =	ssub.s32 s24, s12  }
0xf: {  	s25 =	sadd.s32 s10, s2;
	s6 =	sadd.s32 s6, s13;
	s24 =	simm.s32 $0x12000  }
0x10: {  	s8 =	sshrl.u32 s8, $0x3;
	s26 =	sadd.s32 $0x2000, s25;
	s30 =	sadd.s32 $0x4000, s25  }
0x11: {  	s6 =	sshrl.u32 s6, $0x3;
	s9 =	sadd.s32 $0x8000, s25;
	s11 =	sadd.s32 $0x1A00, s11  }
0x12: {  	s13 =	smax.u32 s14, $0x1;
	s14 =	simm.s32 $0xA000;
	[dreg:$0x4] =	wrdreg s26  }
0x13: {  	s0 =	sadd.s32 s8, s0;
	[dreg:$0x5] =	wrdreg s30;
	s8 =	sadd.s32 $0x6000, s25  }
0x14: {  	s10 =	sadd.s32 s1, s6;
	s25 =	simm.s32 $0x1;
	s26 =	simm.s32 $0x6  }
0x15: {  	v0 =	vimm.f32 $0.0e+00;
	s1 =	simm.s32 $0xA;
	s12 =	sadd.s32 $0x82200, s0;
	s0 =	simm.s32 $0x9  }
.LBB2_1:
0x16: {  	s30 =	simm.s32 $0x100;
	s6 =	simm.s32 $0x0  }
.LBB2_2:
0x17: {  	p0 =	sne.s32 s30, $0x7F00;
	[tilespmem:s6+$0xA030] =	vst v0;
	s7 =	smov.u32 s30;
	s30 =	sadd.s32 $0x100, s30  }
.Ltmp0:
0x18: {  	[tilespmem:s6+$0xA020] =	vst v0;
	(pc) =	sbr.rel @p0 .LBB2_2-.Ltmp0, $3  }
0x19: {  	[tilespmem:s6+$0xA000] =	vst v0  }
0x1a: {  	[tilespmem:s6+$0xA010] =	vst v0;
	_ =	sdelay $0x1  }
0x1b: {  	s6 =	sshra.s32 s7, $0x2  }
0x1c: {  	[tilespmem:s6+$0xA030] =	vst v0  }
0x1d: {  	[tilespmem:s6+$0xA020] =	vst v0  }
0x1e: {  	[tilespmem:s6+$0xA000] =	vst v0  }
0x1f: {  	[tilespmem:s6+$0xA010] =	vst v0  }
0x20: {  	[spmem:s5] =	stream.linear.scatter [tilespmem:s14], [sflag:$0xB], $0x2000, $0x38;
	[tilespmem:$0x1DE00] =	vst v63  }
0x21: {  	_ =	swait.ge [sflag:s15], $0x2000  }
0x22: {  	[sflag:s15] =	ssyncset.done $0x0  }
0x23: {  	s7 =	rddreg [dreg:$0x4];
	[sflag:s15] =	ssyncadd.s32 $0xFFFFE000  }
0x24: {  	[spmem:s7] =	stream.linear.scatter [tilespmem:s14], [sflag:$0xB], $0x2000, $0x38;
	[tilespmem:$0x1DE00] =	vst v63  }
0x25: {  	_ =	swait.ge [sflag:s15], $0x2000  }
0x26: {  	[sflag:s15] =	ssyncset.done $0x0  }
0x27: {  	s7 =	rddreg [dreg:$0x5];
	[sflag:s15] =	ssyncadd.s32 $0xFFFFE000  }
0x28: {  	[spmem:s7] =	stream.linear.scatter [tilespmem:s14], [sflag:$0xB], $0x2000, $0x38;
	[tilespmem:$0x1DE00] =	vst v63  }
0x29: {  	_ =	swait.ge [sflag:s15], $0x2000  }
0x2a: {  	[sflag:s15] =	ssyncset.done $0x0  }
0x2b: {  	[sflag:s15] =	ssyncadd.s32 $0xFFFFE000  }
0x2c: {  	[spmem:s8] =	stream.linear.scatter [tilespmem:s14], [sflag:$0xB], $0x2000, $0x38;
	[tilespmem:$0x1DE00] =	vst v63  }
0x2d: {  	_ =	swait.ge [sflag:s15], $0x2000  }
0x2e: {  	[sflag:s15] =	ssyncset.done $0x0  }
0x2f: {  	[sflag:s15] =	ssyncadd.s32 $0xFFFFE000  }
0x30: {  	[spmem:s9] =	stream.linear.scatter [tilespmem:s14], [sflag:$0xB], $0x1E00, $0x38;
	[tilespmem:$0x1DE00] =	vst v63  }
0x31: {  	_ =	swait.ge [sflag:s15], $0x1E00  }
0x32: {  	[sflag:s15] =	ssyncset.done $0x0  }
0x33: {  	[sflag:s15] =	ssyncadd.s32 $0xFFFFE200  }
0x34: {  	s7 =	simm.s32 $0x0;
	[bflag:$0x0] =	sbarrier.arrive $0xFFFF  }
0x35: {  	[tilespmem:s7], [sflag:$0xB] =	stream.linear.gather [hbm4b:s10+s7], $0x5000, $0x38;
	[tilespmem:$0x1DE00] =	vst v63  }
0x36: {  	_ =	swait.ge [sflag:s15], $0x5000  }
0x37: {  	[sflag:s15] =	ssyncset.done $0x0  }
0x38: {  	[sflag:s15] =	ssyncadd.s32 $0xFFFFB000  }
0x39: {  	[tilespmem:s16], [sflag:$0xB] =	stream.linear.gather [hbm4b:s11+s7], $0x5000, $0x38;
	[tilespmem:$0x1DE00] =	vst v63  }
0x3a: {  	_ =	swait.ge [sflag:s15], $0x5000  }
0x3b: {  	[sflag:s15] =	ssyncset.done $0x0  }
0x3c: {  	[sflag:s15] =	ssyncadd.s32 $0xFFFFB000  }
0x3d: {  	[tilespmem:s14], [sflag:$0x1] =	stream.indirect.gather [hbm4b:s4+s17], $0x40, s7, s17, $0xb8;
	[tilespmem:$0x1DE00] =	vst v63  }
0x3e: {  	_ = 	snop  }
0x3f: {  	[tilespmem:s18], [sflag:$0x2] =	stream.indirect.gather [hbm4b:s4+s17], $0x40, s17, s17, $0xb8;
	[tilespmem:$0x1DE00] =	vst v63  }
0x40: {  	s7 =	simm.s32 $0x100  }
0x41: {  	[tilespmem:s20], [sflag:$0x3] =	stream.indirect.gather [hbm4b:s4+s17], $0x40, s7, s17, $0xb8;
	[tilespmem:$0x1DE00] =	vst v63  }
0x42: {  	s7 =	simm.s32 $0x180  }
0x43: {  	[tilespmem:s22], [sflag:$0x4] =	stream.indirect.gather [hbm4b:s4+s17], $0x40, s7, s17, $0xb8;
	[tilespmem:$0x1DE00] =	vst v63  }
0x44: {  	s7 =	simm.s32 $0x200  }
0x45: {  	[tilespmem:s24], [sflag:$0x5] =	stream.indirect.gather [hbm4b:s4+s17], $0x40, s7, s17, $0xb8;
	[tilespmem:$0x1DE00] =	vst v63  }
0x46: {  	_ =	swait.ge [sflag:s25], $0x2000  }
0x47: {  	[sflag:s25] =	ssyncset.done $0x0  }
0x48: {  	[sflag:s25] =	ssyncadd.s32 $0xFFFFE000  }
0x49: {  	[spmem:s2] =	stream.indirect.scatter.add.f32 [tilespmem:s14], [sflag:$0x6], $0x40, s16, s17, $0xb8;
	[tilespmem:$0x1DE00] =	vst v63  }
0x4a: {  	_ =	swait.ge [sflag:s26], $0x2000  }
0x4b: {  	[sflag:s26] =	ssyncset.done $0x0  }
0x4c: {  	s7 =	simm.s32 $0x280;
	[sflag:s26] =	ssyncadd.s32 $0xFFFFE000  }
0x4d: {  	[tilespmem:s14], [sflag:$0x1] =	stream.indirect.gather [hbm4b:s4+s17], $0x40, s7, s17, $0xb8;
	[tilespmem:$0x1DE00] =	vst v63  }
0x4e: {  	_ =	swait.ge [sflag:s29], $0x2000  }
0x4f: {  	[sflag:s29] =	ssyncset.done $0x0  }
0x50: {  	s7 =	simm.s32 $0x5080;
	[sflag:s29] =	ssyncadd.s32 $0xFFFFE000  }
0x51: {  	[spmem:s2] =	stream.indirect.scatter.add.f32 [tilespmem:s18], [sflag:$0x7], $0x40, s7, s17, $0xb8;
	[tilespmem:$0x1DE00] =	vst v63  }
0x52: {  	_ =	swait.ge [sflag:s31], $0x2000  }
0x53: {  	[sflag:s31] =	ssyncset.done $0x0  }
0x54: {  	s7 =	simm.s32 $0x300;
	[sflag:s31] =	ssyncadd.s32 $0xFFFFE000  }
0x55: {  	[tilespmem:s18], [sflag:$0x2] =	stream.indirect.gather [hbm4b:s4+s17], $0x40, s7, s17, $0xb8;
	[tilespmem:$0x1DE00] =	vst v63  }
0x56: {  	_ =	swait.ge [sflag:s19], $0x2000  }
0x57: {  	[sflag:s19] =	ssyncset.done $0x0  }
0x58: {  	s7 =	simm.s32 $0x5100;
	[sflag:s19] =	ssyncadd.s32 $0xFFFFE000  }
0x59: {  	[spmem:s2] =	stream.indirect.scatter.add.f32 [tilespmem:s20], [sflag:$0x8], $0x40, s7, s17, $0xb8;
	[tilespmem:$0x1DE00] =	vst v63  }
0x5a: {  	_ =	swait.ge [sflag:s21], $0x2000  }
0x5b: {  	[sflag:s21] =	ssyncset.done $0x0  }
0x5c: {  	s7 =	simm.s32 $0x380;
	[sflag:s21] =	ssyncadd.s32 $0xFFFFE000  }
0x5d: {  	[tilespmem:s20], [sflag:$0x3] =	stream.indirect.gather [hbm4b:s4+s17], $0x40, s7, s17, $0xb8;
	[tilespmem:$0x1DE00] =	vst v63  }
0x5e: {  	_ =	swait.ge [sflag:s28], $0x2000  }
0x5f: {  	[sflag:s28] =	ssyncset.done $0x0  }
0x60: {  	s7 =	simm.s32 $0x5180;
	[sflag:s28] =	ssyncadd.s32 $0xFFFFE000  }
0x61: {  	[spmem:s2] =	stream.indirect.scatter.add.f32 [tilespmem:s22], [sflag:$0x9], $0x40, s7, s17, $0xb8;
	[tilespmem:$0x1DE00] =	vst v63  }
0x62: {  	_ =	swait.ge [sflag:s0], $0x2000  }
0x63: {  	[sflag:s0] =	ssyncset.done $0x0  }
0x64: {  	s7 =	simm.s32 $0x400;
	[sflag:s0] =	ssyncadd.s32 $0xFFFFE000  }
0x65: {  	[tilespmem:s22], [sflag:$0x4] =	stream.indirect.gather [hbm4b:s4+s17], $0x40, s7, s17, $0xb8;
	[tilespmem:$0x1DE00] =	vst v63  }
0x66: {  	_ =	swait.ge [sflag:s23], $0x2000  }
0x67: {  	[sflag:s23] =	ssyncset.done $0x0  }
0x68: {  	s7 =	simm.s32 $0x5200;
	[sflag:s23] =	ssyncadd.s32 $0xFFFFE000  }
0x69: {  	[spmem:s2] =	stream.indirect.scatter.add.f32 [tilespmem:s24], [sflag:$0xA], $0x40, s7, s17, $0xb8;
	[tilespmem:$0x1DE00] =	vst v63  }
0x6a: {  	_ =	swait.ge [sflag:s1], $0x2000  }
0x6b: {  	[sflag:s1] =	ssyncset.done $0x0  }
0x6c: {  	s7 =	simm.s32 $0x480;
	[sflag:s1] =	ssyncadd.s32 $0xFFFFE000  }
0x6d: {  	[tilespmem:s24], [sflag:$0x5] =	stream.indirect.gather [hbm4b:s4+s17], $0x40, s7, s17, $0xb8;
	[tilespmem:$0x1DE00] =	vst v63  }
0x6e: {  	_ =	swait.ge [sflag:s25], $0x2000  }
0x6f: {  	[sflag:s25] =	ssyncset.done $0x0  }
0x70: {  	s7 =	simm.s32 $0x5280;
	[sflag:s25] =	ssyncadd.s32 $0xFFFFE000  }
0x71: {  	[spmem:s2] =	stream.indirect.scatter.add.f32 [tilespmem:s14], [sflag:$0x6], $0x40, s7, s17, $0xb8;
	[tilespmem:$0x1DE00] =	vst v63  }
0x72: {  	_ =	swait.ge [sflag:s26], $0x2000  }
0x73: {  	[sflag:s26] =	ssyncset.done $0x0  }
0x74: {  	s7 =	simm.s32 $0x500;
	[sflag:s26] =	ssyncadd.s32 $0xFFFFE000  }
0x75: {  	[tilespmem:s14], [sflag:$0x1] =	stream.indirect.gather [hbm4b:s4+s17], $0x40, s7, s17, $0xb8;
	[tilespmem:$0x1DE00] =	vst v63  }
0x76: {  	_ =	swait.ge [sflag:s29], $0x2000  }
0x77: {  	[sflag:s29] =	ssyncset.done $0x0  }
0x78: {  	s7 =	simm.s32 $0x5300;
	[sflag:s29] =	ssyncadd.s32 $0xFFFFE000  }
0x79: {  	[spmem:s2] =	stream.indirect.scatter.add.f32 [tilespmem:s18], [sflag:$0x7], $0x40, s7, s17, $0xb8;
	[tilespmem:$0x1DE00] =	vst v63  }
0x7a: {  	_ =	swait.ge [sflag:s31], $0x2000  }
0x7b: {  	[sflag:s31] =	ssyncset.done $0x0  }
0x7c: {  	s7 =	simm.s32 $0x580;
	[sflag:s31] =	ssyncadd.s32 $0xFFFFE000  }
0x7d: {  	[tilespmem:s18], [sflag:$0x2] =	stream.indirect.gather [hbm4b:s4+s17], $0x40, s7, s17, $0xb8;
	[tilespmem:$0x1DE00] =	vst v63  }
0x7e: {  	_ =	swait.ge [sflag:s19], $0x2000  }
0x7f: {  	[sflag:s19] =	ssyncset.done $0x0  }
0x80: {  	s7 =	simm.s32 $0x5380;
	[sflag:s19] =	ssyncadd.s32 $0xFFFFE000  }
0x81: {  	[spmem:s2] =	stream.indirect.scatter.add.f32 [tilespmem:s20], [sflag:$0x8], $0x40, s7, s17, $0xb8;
	[tilespmem:$0x1DE00] =	vst v63  }
0x82: {  	_ =	swait.ge [sflag:s21], $0x2000  }
0x83: {  	[sflag:s21] =	ssyncset.done $0x0  }
0x84: {  	s7 =	simm.s32 $0x600;
	[sflag:s21] =	ssyncadd.s32 $0xFFFFE000  }
0x85: {  	[tilespmem:s20], [sflag:$0x3] =	stream.indirect.gather [hbm4b:s4+s17], $0x40, s7, s17, $0xb8;
	[tilespmem:$0x1DE00] =	vst v63  }
0x86: {  	_ =	swait.ge [sflag:s28], $0x2000  }
0x87: {  	[sflag:s28] =	ssyncset.done $0x0  }
0x88: {  	s7 =	simm.s32 $0x5400;
	[sflag:s28] =	ssyncadd.s32 $0xFFFFE000  }
0x89: {  	[spmem:s2] =	stream.indirect.scatter.add.f32 [tilespmem:s22], [sflag:$0x9], $0x40, s7, s17, $0xb8;
	[tilespmem:$0x1DE00] =	vst v63  }
0x8a: {  	_ =	swait.ge [sflag:s0], $0x2000  }
0x8b: {  	[sflag:s0] =	ssyncset.done $0x0  }
0x8c: {  	s7 =	simm.s32 $0x680;
	[sflag:s0] =	ssyncadd.s32 $0xFFFFE000  }
0x8d: {  	[tilespmem:s22], [sflag:$0x4] =	stream.indirect.gather [hbm4b:s4+s17], $0x40, s7, s17, $0xb8;
	[tilespmem:$0x1DE00] =	vst v63  }
0x8e: {  	_ =	swait.ge [sflag:s23], $0x2000  }
0x8f: {  	[sflag:s23] =	ssyncset.done $0x0  }
0x90: {  	s30 =	simm.s32 $0xA00;
	s6 =	simm.s32 $0x5480;
	[sflag:s23] =	ssyncadd.s32 $0xFFFFE000  }
.LBB2_4:
0x91: {  	[spmem:s2] =	stream.indirect.scatter.add.f32 [tilespmem:s24], [sflag:$0xA], $0x40, s6, s17, $0xb8;
	[tilespmem:$0x1DE00] =	vst v63  }
0x92: {  	s6 =	smov.u32 s30;
	s30 =	sadd.s32 $0xA00, s30;
	_ =	swait.ge [sflag:s1], $0x2000  }
0x93: {  	s6 =	sshra.s32 s6, $0x2;
	p0 =	sne.s32 s30, $0x12C00;
	[sflag:s1] =	ssyncset.done $0x0  }
0x94: {  	s7 =	sadd.s32 $0x480, s6;
	[sflag:s1] =	ssyncadd.s32 $0xFFFFE000  }
0x95: {  	[tilespmem:s24], [sflag:$0x5] =	stream.indirect.gather [hbm4b:s4+s17], $0x40, s7, s17, $0xb8;
	[tilespmem:$0x1DE00] =	vst v63  }
0x96: {  	_ =	swait.ge [sflag:s25], $0x2000  }
0x97: {  	[sflag:s25] =	ssyncset.done $0x0  }
0x98: {  	s7 =	sadd.s32 $0x5280, s6;
	[sflag:s25] =	ssyncadd.s32 $0xFFFFE000  }
0x99: {  	[spmem:s2] =	stream.indirect.scatter.add.f32 [tilespmem:s14], [sflag:$0x6], $0x40, s7, s17, $0xb8;
	[tilespmem:$0x1DE00] =	vst v63  }
0x9a: {  	_ =	swait.ge [sflag:s26], $0x2000  }
0x9b: {  	[sflag:s26] =	ssyncset.done $0x0  }
0x9c: {  	s7 =	sadd.s32 $0x500, s6;
	[sflag:s26] =	ssyncadd.s32 $0xFFFFE000  }
0x9d: {  	[tilespmem:s14], [sflag:$0x1] =	stream.indirect.gather [hbm4b:s4+s17], $0x40, s7, s17, $0xb8;
	[tilespmem:$0x1DE00] =	vst v63  }
0x9e: {  	_ =	swait.ge [sflag:s29], $0x2000  }
0x9f: {  	[sflag:s29] =	ssyncset.done $0x0  }
0xa0: {  	s7 =	sadd.s32 $0x5300, s6;
	[sflag:s29] =	ssyncadd.s32 $0xFFFFE000  }
0xa1: {  	[spmem:s2] =	stream.indirect.scatter.add.f32 [tilespmem:s18], [sflag:$0x7], $0x40, s7, s17, $0xb8;
	[tilespmem:$0x1DE00] =	vst v63  }
0xa2: {  	_ =	swait.ge [sflag:s31], $0x2000  }
0xa3: {  	[sflag:s31] =	ssyncset.done $0x0  }
0xa4: {  	s7 =	sadd.s32 $0x580, s6;
	[sflag:s31] =	ssyncadd.s32 $0xFFFFE000  }
0xa5: {  	[tilespmem:s18], [sflag:$0x2] =	stream.indirect.gather [hbm4b:s4+s17], $0x40, s7, s17, $0xb8;
	[tilespmem:$0x1DE00] =	vst v63  }
0xa6: {  	_ =	swait.ge [sflag:s19], $0x2000  }
0xa7: {  	[sflag:s19] =	ssyncset.done $0x0  }
0xa8: {  	s7 =	sadd.s32 $0x5380, s6;
	[sflag:s19] =	ssyncadd.s32 $0xFFFFE000  }
0xa9: {  	[spmem:s2] =	stream.indirect.scatter.add.f32 [tilespmem:s20], [sflag:$0x8], $0x40, s7, s17, $0xb8;
	[tilespmem:$0x1DE00] =	vst v63  }
0xaa: {  	_ =	swait.ge [sflag:s21], $0x2000  }
0xab: {  	[sflag:s21] =	ssyncset.done $0x0  }
0xac: {  	s7 =	sadd.s32 $0x600, s6;
	[sflag:s21] =	ssyncadd.s32 $0xFFFFE000  }
0xad: {  	[tilespmem:s20], [sflag:$0x3] =	stream.indirect.gather [hbm4b:s4+s17], $0x40, s7, s17, $0xb8;
	[tilespmem:$0x1DE00] =	vst v63  }
0xae: {  	_ =	swait.ge [sflag:s28], $0x2000  }
0xaf: {  	[sflag:s28] =	ssyncset.done $0x0  }
0xb0: {  	s7 =	sadd.s32 $0x5400, s6;
	[sflag:s28] =	ssyncadd.s32 $0xFFFFE000  }
0xb1: {  	[spmem:s2] =	stream.indirect.scatter.add.f32 [tilespmem:s22], [sflag:$0x9], $0x40, s7, s17, $0xb8;
	[tilespmem:$0x1DE00] =	vst v63  }
0xb2: {  	_ =	swait.ge [sflag:s0], $0x2000  }
0xb3: {  	[sflag:s0] =	ssyncset.done $0x0  }
.Ltmp1:
0xb4: {  	s7 =	sadd.s32 $0x680, s6;
	[sflag:s0] =	ssyncadd.s32 $0xFFFFE000;
	(pc) =	sbr.rel @p0 .LBB2_4-.Ltmp1, $4  }
0xb5: {  	[tilespmem:s22], [sflag:$0x4] =	stream.indirect.gather [hbm4b:s4+s17], $0x40, s7, s17, $0xb8;
	[tilespmem:$0x1DE00] =	vst v63  }
0xb6: {  	_ =	swait.ge [sflag:s23], $0x2000  }
0xb7: {  	[sflag:s23] =	ssyncset.done $0x0  }
0xb8: {  	s6 =	sadd.s32 $0x5480, s6;
	[sflag:s23] =	ssyncadd.s32 $0xFFFFE000  }
0xb9: {  	[spmem:s2] =	stream.indirect.scatter.add.f32 [tilespmem:s24], [sflag:$0xA], $0x40, s6, s17, $0xb8;
	[tilespmem:$0x1DE00] =	vst v63  }
0xba: {  	_ =	swait.ge [sflag:s1], $0x2000  }
0xbb: {  	[sflag:s1] =	ssyncset.done $0x0  }
0xbc: {  	s7 =	simm.s32 $0x4F80;
	[sflag:s1] =	ssyncadd.s32 $0xFFFFE000  }
0xbd: {  	[tilespmem:s24], [sflag:$0x5] =	stream.indirect.gather [hbm4b:s4+s17], $0x40, s7, s17, $0xb8;
	[tilespmem:$0x1DE00] =	vst v63  }
0xbe: {  	_ =	swait.ge [sflag:s25], $0x2000  }
0xbf: {  	s6 =	sshra.s32 s30, $0x2;
	[sflag:s25] =	ssyncset.done $0x0  }
0xc0: {  	s7 =	sadd.s32 $0x5280, s6;
	[sflag:s25] =	ssyncadd.s32 $0xFFFFE000  }
0xc1: {  	[spmem:s2] =	stream.indirect.scatter.add.f32 [tilespmem:s14], [sflag:$0x6], $0x40, s7, s17, $0xb8;
	[tilespmem:$0x1DE00] =	vst v63  }
0xc2: {  	_ =	swait.ge [sflag:s26], $0x2000  }
0xc3: {  	[sflag:s26] =	ssyncset.done $0x0  }
0xc4: {  	[sflag:s26] =	ssyncadd.s32 $0xFFFFE000  }
0xc5: {  	_ =	swait.ge [sflag:s29], $0x2000  }
0xc6: {  	[sflag:s29] =	ssyncset.done $0x0  }
0xc7: {  	s30 =	sadd.s32 $0x5300, s6;
	[sflag:s29] =	ssyncadd.s32 $0xFFFFE000  }
0xc8: {  	[spmem:s2] =	stream.indirect.scatter.add.f32 [tilespmem:s18], [sflag:$0x7], $0x40, s30, s17, $0xb8;
	[tilespmem:$0x1DE00] =	vst v63  }
0xc9: {  	_ =	swait.ge [sflag:s31], $0x2000  }
0xca: {  	[sflag:s31] =	ssyncset.done $0x0  }
0xcb: {  	[sflag:s31] =	ssyncadd.s32 $0xFFFFE000  }
0xcc: {  	_ =	swait.ge [sflag:s19], $0x2000  }
0xcd: {  	[sflag:s19] =	ssyncset.done $0x0  }
0xce: {  	s30 =	sadd.s32 $0x5380, s6;
	[sflag:s19] =	ssyncadd.s32 $0xFFFFE000  }
0xcf: {  	[spmem:s2] =	stream.indirect.scatter.add.f32 [tilespmem:s20], [sflag:$0x8], $0x40, s30, s17, $0xb8;
	[tilespmem:$0x1DE00] =	vst v63  }
0xd0: {  	_ =	swait.ge [sflag:s21], $0x2000  }
0xd1: {  	[sflag:s21] =	ssyncset.done $0x0  }
0xd2: {  	[sflag:s21] =	ssyncadd.s32 $0xFFFFE000  }
0xd3: {  	_ =	swait.ge [sflag:s28], $0x2000  }
0xd4: {  	[sflag:s28] =	ssyncset.done $0x0  }
0xd5: {  	s6 =	sadd.s32 $0x5400, s6;
	[sflag:s28] =	ssyncadd.s32 $0xFFFFE000  }
0xd6: {  	[spmem:s2] =	stream.indirect.scatter.add.f32 [tilespmem:s22], [sflag:$0x9], $0x40, s6, s17, $0xb8;
	[tilespmem:$0x1DE00] =	vst v63  }
0xd7: {  	_ =	swait.ge [sflag:s0], $0x2000  }
0xd8: {  	[sflag:s0] =	ssyncset.done $0x0  }
0xd9: {  	[sflag:s0] =	ssyncadd.s32 $0xFFFFE000  }
0xda: {  	_ =	swait.ge [sflag:s23], $0x2000  }
0xdb: {  	[sflag:s23] =	ssyncset.done $0x0  }
0xdc: {  	s30 =	simm.s32 $0x9F80;
	[sflag:s23] =	ssyncadd.s32 $0xFFFFE000  }
0xdd: {  	[spmem:s2] =	stream.indirect.scatter.add.f32 [tilespmem:s24], [sflag:$0xA], $0x40, s30, s17, $0xb8;
	[tilespmem:$0x1DE00] =	vst v63  }
0xde: {  	s7 =	stileid.u32;
	_ =	swait.ge [sflag:s1], $0x2000  }
0xdf: {  	s3 =	sadd.s32 $0x1, s3;
	s6 =	sshll.u32 s7, $0x6;
	[sflag:s1] =	ssyncset.done $0x0  }
0xe0: {  	p0 =	sne.s32 s3, s13;
	s6 =	sor.u32 $0x1C0B, s6;
	[sflag:s1] =	ssyncadd.s32 $0xFFFFE000  }
.Ltmp2:
0xe1: {  	s30 =	sshrl.u32 s5, $0x3;
	[bflag:$0x0] =	sbarrier.arrive $0xFFFF;
	(pc) =	sbr.rel @p0 .LBB2_1-.Ltmp2, $4  }
0xe2: {  	[hbm:s12], [sflag:s6] =	dma.local [spmem:s30], $0x13C0  }
0xe3: {  	_ =	swait.ge [sflag:s15], $0x13C0  }
0xe4: {  	[sflag:s15] =	ssyncset.done $0x0  }
0xe5: {  	[sflag:s15] =	ssyncadd.s32 $0xFFFFEC40  }
0xe6: {  	_ =	sfence.sel $0x180000  }
0xe7: {  	[bflag:$0x0] =	sbarrier.arrive $0xFFFF  }
0xe8: {  	_ =	strace $0x9000004A  }
0xe9: {  	s0 =	stileid.u32;
	[bflag:$0x2] =	sbarrier.arrive $0xFFFF  }
0xea: {  	p0 =	sne.s32 s0, $0x0;
	s0 =	rddreg [dreg:$0x3]  }
0xeb: {  	s0 =	sadd.s32 @!p0 $0x100000, s0  }
0xec: {  	[sflag:s0] =	ssyncadd.tile.s32 @!p0 $0x1;
	_ =	shalt  }
.Lfunc_end2:
_tile_overlayer_lowered:
.L_overlay_start_2:
0xed: {  	(tag) =	ssettag $0x2  }
0xee: {  	s0 =	rddreg [dreg:$0x0];
	s2 =	stileid.u32  }
0xef: {  	s1 =	rddreg [dreg:$0x1];
	p0 =	sne.s32 s2, $0x0  }
0xf0: {  	s3 =	rddreg [dreg:$0x2];
	[bflag:$0x3] =	sbarrier.arrive $0xFFFF;
	s2 =	simm.s32 @!p0 $0x1C0B  }
0xf1: {  	[timem:s3], [sflag:s2] =	dma.local @!p0 [hbm:s0], s1  }
0xf2: {  	s0 =	simm.s32 @!p0 $0xB  }
0xf3: {  	_ =	swait.ge @!p0 [sflag:s0], s1  }
0xf4: {  	s1 =	ssub.s32 @!p0 $0x0, s1;
	[sflag:s0] =	ssyncset.done @!p0 $0x0  }
0xf5: {  	[sflag:s0] =	ssyncadd.s32 @!p0 s1  }
0xf6: {  	[bflag:$0x3] =	sbarrier.arrive $0xFFFF  }
0xf7: {  	_ =	shalt  }

// kernel: kernel.7.cloned.1.call-start
scs
__scs_entry_jumppad:
0x0: {  	(pc) =	sbr.rel $0x88, $3  }
0x1: {  	(tag) =	ssettag $0x0;
	lr =	simm.s32 $0x1  }
0x2: {  	[smem:$0x3F9A] =	sst lr;
	_ =	strace $0xD0000000  }
0x3: {  	_ = 	snop  }
0x4: {  	_ = 	snop  }
0x5: {  	_ = 	snop  }
0x6: {  	_ = 	snop  }
0x7: {  	_ = 	snop  }
__scs_overlays_trampoline_lowered:
0x8: {  	[smem:$0x3FA9] =	sst s0  }
0x9: {  	[smem:$0x3FAA] =	sst s1  }
0xa: {  	[smem:$0x3FAB] =	sst s2  }
0xb: {  	[smem:$0x3FAC] =	sst s3  }
0xc: {  	[smem:$0x3FAD] =	sst s4  }
0xd: {  	[smem:$0x3FAE] =	sst s5  }
0xe: {  	[smem:$0x3FAF] =	sst s6  }
0xf: {  	[smem:$0x3FB0] =	sst s7  }
0x10: {  	[smem:$0x3FB1] =	sst s8  }
0x11: {  	[smem:$0x3FB2] =	sst s9;
	s0 =	simm.s32 @!p0 $0x0  }
0x12: {  	s1 =	sld [smem:$0x3F98];
	s0 =	simm.s32 @p0 $0x1  }
0x13: {  	[smem:$0x3FB3] =	sst s0;
	s0 =	simm.s32 @!p1 $0x0  }
0x14: {  	s2 =	sld [smem:$0x3F97];
	s0 =	simm.s32 @p1 $0x1  }
0x15: {  	[smem:$0x3FB4] =	sst s0;
	s0 =	simm.s32 @!p2 $0x0  }
0x16: {  	s3 =	sld [smem:$0x3FDB];
	s0 =	simm.s32 @p2 $0x1  }
0x17: {  	s4 =	simm.s32 $0x1BF5;
	[smem:$0x3FB6] =	sst s0  }
0x18: {  	s0 =	sld [smem:$0x3F99];
	_ =	swait.ge [sflag:s4], $0x0  }
0x19: {  	s7 =	sld [smem:$0x3F9A]  }
0x1a: {  	s8 =	sadd.s32 $0xFFFFE003, lr  }
0x1b: {  	s9 =	sadd.s32 $0xFFFFFEF7, lr;
	s5 =	simm.s32 $0xFFFFFFFF;
	p2 =	slt.u32 s8, $0xFFFFF086  }
0x1c: {  	p1 =	slt.u32 s9, $0xF7A;
	s5 =	simm.s32 @!p2 $0x0  }
0x1d: {  	s5 =	simm.s32 @p1 $0x1;
	p0 =	seq.s32 s7, s2  }
0x1e: {  	s7 =	smul.u32 @!p0 $0xF7A, s2;
	p2 =	seq.s32 @!p0 s5, $0x0  }
0x1f: {  	s9 =	smul.u32 $0xF7A, s1;
	s8 =	simm.s32 @!p0 $0x1BF5;
	p2 =	por !p2, p0  }
0x20: {  	[sflag:s8] =	ssyncset.s32 @!p0 $0xFFFFF086;
	s6 =	sadd.s32 @!p0 s3, s7;
	s7 =	simm.s32 @!p0 $0x108  }
0x21: {  	s3 =	sadd.s32 s3, s9;
	s6 =	sadd.s32 @!p0 $0x88, s6;
	s7 =	simm.s32 @p2 $0x1082  }
0x22: {  	[simem:s7], [sflag:s8] =	dma.local @!p0 [hbm:s6], $0xF7A  }
0x23: {  	s9 =	sor.u32 $0xD0000000, s2;
	s6 =	simm.s32 $0x108;
	_ =	swait.ge @!p0 [sflag:s8], $0x0  }
0x24: {  	s3 =	sadd.s32 $0x88, s3;
	s6 =	simm.s32 @!p1 $0x1082;
	[sflag:s4] =	ssyncset.s32 $0xFFFFF086  }
0x25: {  	[simem:s6], [sflag:s4] =	dma.local [hbm:s3], $0xF7A  }
0x26: {  	[smem:$0x3F9A] =	sst s1;
	(tag) =	ssettag s2;
	_ =	strace s9  }
0x27: {  	s1 =	sld [smem:$0x3FAA]  }
0x28: {  	s2 =	sld [smem:$0x3FAB]  }
0x29: {  	s4 =	sld [smem:$0x3FAD]  }
0x2a: {  	p0 =	seq.s32 s5, $0x0;
	s5 =	sld [smem:$0x3FAE]  }
0x2b: {  	s6 =	sld [smem:$0x3FAF]  }
0x2c: {  	s7 =	sld [smem:$0x3FB0]  }
0x2d: {  	s3 =	simm.s32 $0x108;
	s8 =	sld [smem:$0x3FB1]  }
0x2e: {  	s3 =	simm.s32 @!p0 $0x1082;
	s9 =	sld [smem:$0x3FB2]  }
0x2f: {  	lr =	sadd.s32 s0, s3;
	s0 =	sld [smem:$0x3FA9]  }
0x30: {  	s3 =	sld [smem:$0x3FAC]  }
0x31: {  	[smem:$0x3FB5] =	sst s10  }
0x32: {  	s10 =	sld [smem:$0x3FB3];
	_ =	sdelay $0x3  }
0x33: {  	p0 =	seq.s32 s10, $0x1;
	s10 =	sld [smem:$0x3FB5];
	_ =	sdelay $0x3  }
0x34: {  	[smem:$0x3FB5] =	sst s10  }
0x35: {  	s10 =	sld [smem:$0x3FB4];
	_ =	sdelay $0x3  }
0x36: {  	p1 =	seq.s32 s10, $0x1;
	s10 =	sld [smem:$0x3FB5];
	_ =	sdelay $0x3  }
0x37: {  	[smem:$0x3FB5] =	sst s10  }
0x38: {  	s10 =	sld [smem:$0x3FB6]  }
0x39: {  	_ = 	snop;
	(pc) =	sbr.ind lr, $3  }
0x3a: {  	_ = 	snop  }
0x3b: {  	_ = 	snop  }
0x3c: {  	p2 =	seq.s32 s10, $0x1;
	s10 =	sld [smem:$0x3FB5]  }
0x3d: {  	_ =	shalt  }
0x3e: {  	_ =	shalt  }
0x3f: {  	_ =	shalt  }
0x40: {  	_ =	shalt  }
0x41: {  	_ =	shalt  }
0x42: {  	_ =	shalt  }
0x43: {  	_ =	shalt  }
0x44: {  	_ =	shalt  }
0x45: {  	_ =	shalt  }
0x46: {  	_ =	shalt  }
0x47: {  	_ =	shalt  }
0x48: {  	_ =	shalt  }
0x49: {  	_ =	shalt  }
0x4a: {  	_ =	shalt  }
0x4b: {  	_ =	shalt  }
0x4c: {  	_ =	shalt  }
0x4d: {  	_ =	shalt  }
0x4e: {  	_ =	shalt  }
0x4f: {  	_ =	shalt  }
0x50: {  	_ =	shalt  }
0x51: {  	_ =	shalt  }
0x52: {  	_ =	shalt  }
0x53: {  	_ =	shalt  }
0x54: {  	_ =	shalt  }
0x55: {  	_ =	shalt  }
0x56: {  	_ =	shalt  }
0x57: {  	_ =	shalt  }
0x58: {  	_ =	shalt  }
0x59: {  	_ =	shalt  }
0x5a: {  	_ =	shalt  }
0x5b: {  	_ =	shalt  }
0x5c: {  	_ =	shalt  }
0x5d: {  	_ =	shalt  }
0x5e: {  	_ =	shalt  }
0x5f: {  	_ =	shalt  }
0x60: {  	_ =	shalt  }
0x61: {  	_ =	shalt  }
0x62: {  	_ =	shalt  }
0x63: {  	_ =	shalt  }
0x64: {  	_ =	shalt  }
0x65: {  	_ =	shalt  }
0x66: {  	_ =	shalt  }
0x67: {  	_ =	shalt  }
0x68: {  	_ =	shalt  }
0x69: {  	_ =	shalt  }
0x6a: {  	_ =	shalt  }
0x6b: {  	_ =	shalt  }
0x6c: {  	_ =	shalt  }
0x6d: {  	_ =	shalt  }
0x6e: {  	_ =	shalt  }
0x6f: {  	_ =	shalt  }
0x70: {  	_ =	shalt  }
0x71: {  	_ =	shalt  }
0x72: {  	_ =	shalt  }
0x73: {  	_ =	shalt  }
0x74: {  	_ =	shalt  }
0x75: {  	_ =	shalt  }
0x76: {  	_ =	shalt  }
0x77: {  	_ =	shalt  }
0x78: {  	_ =	shalt  }
0x79: {  	_ =	shalt  }
0x7a: {  	_ =	shalt  }
0x7b: {  	_ =	shalt  }
0x7c: {  	_ =	shalt  }
0x7d: {  	_ =	shalt  }
0x7e: {  	_ =	shalt  }
0x7f: {  	_ =	shalt  }
0x80: {  	_ =	shalt  }
0x81: {  	_ =	shalt  }
0x82: {  	_ =	shalt  }
0x83: {  	_ =	shalt  }
0x84: {  	_ =	shalt  }
0x85: {  	_ =	shalt  }
0x86: {  	_ =	shalt  }
0x87: {  	_ =	shalt  }
.Lfunc_end0:
.L_simem_size_0:
called_computation_lowered:
.L_overlay_start_0:
0x88: {  	s2 =	sld [smem:$0x3FD9]  }
0x89: {  	s3 =	sld [smem:$0x3FFE];
	_ =	sdelay $0x1  }
0x8a: {  	s1 =	srdreg.scid  }
0x8b: {  	s0 =	sand.u32 $0x1, s1  }
0x8c: {  	s16 =	sshll.u32 s0, $0xA;
	s2 =	sadd.s32 s3, s2  }
0x8d: {  	s2 =	sadd.s32 s2, s16  }
0x8e: {  	[smem:$0x3FC1] =	sst s2  }
0x8f: {  	_ = 	snop  }
0x90: {  	(tm) =	ssettm $0x1  }
0x91: {  	s17 =	sld [smem:$0x3FFB];
	_ =	sdelay $0x3  }
0x92: {  	_ =	strace s17  }
0x93: {  	s2 =	sld [smem:$0x3FFC];
	_ =	sdelay $0x3  }
0x94: {  	_ =	strace s2  }
0x95: {  	s2 =	sld [smem:$0x3FFD];
	_ =	sdelay $0x3  }
0x96: {  	_ =	strace s2  }
0x97: {  	_ =	strace $0x8FFFFFFF  }
0x98: {  	s18 =	sld [smem:$0x3FDB];
	_ =	sdelay $0x1  }
0x99: {  	s19 =	simm.s32 $_scs_section_size  }
0x9a: {  	s4 =	simm.s32 $_size__tile_overlayer_lowered;
	s5 =	simm.s32 $_tile_overlayer_lowered  }
0x9b: {  	s22 =	simm.s32 $0x1BFF;
	s21 =	sshll.u32 s5, $0x1;
	s2 =	sadd.s32 s19, s18  }
0x9c: {  	s6 =	simm.s32 $0x0;
	s20 =	sshll.u32 s4, $0x1;
	s4 =	sadd.s32 s21, s2  }
0x9d: {  	[timem:s6], [sflag:s22] =	dma.local [hbm:s4], s20  }
0x9e: {  	_ =	swait.ge [sflag:s22], s20  }
0x9f: {  	s3 =	ssub.s32 $0x0, s20;
	[sflag:s22] =	ssyncset.done $0x0  }
0xa0: {  	[sflag:s22] =	ssyncadd.s32 s3;
	_ =	sdelay $0x1  }
0xa1: {  	s23 =	simm.s32 $0x1B8B  }
0xa2: {  	_ =	swait.ge [sflag:s23], $0x1  }
0xa3: {  	[sflag:s23] =	ssyncset.done $0x0  }
0xa4: {  	s25 =	simm.s32 $0x1B8E;
	s24 =	sld [smem:$0x3FFE];
	[sflag:s23] =	ssyncadd.s32 $0xFFFFFFFF  }
0xa5: {  	s26 =	simm.s32 $execute0_lowered;
	[smem:$0x3FD2] =	sst s25  }
0xa6: {  	s4 =	sshll.u32 s26, $0x1;
	_ =	strace $0x80000046;
	[dreg:$0x1] =	wrdreg $0xFFFFFFFF  }
0xa7: {  	s28 =	simm.s32 $_size_execute0_lowered;
	s2 =	sadd.s32 s2, s4;
	[dreg:$0x0] =	wrdreg $0x0  }
0xa8: {  	s4 =	sshll.u32 s28, $0x1;
	[dreg:$0x2] =	wrdreg s2  }
0xa9: {  	[dreg:$0x3] =	wrdreg s4  }
0xaa: {  	[dreg:$0x4] =	wrdreg $0xC0  }
0xab: {  	_ =	task [dreg:s6], $0x5FFFF  }
0xac: {  	[dreg:$0x1] =	wrdreg $0xFFFFFFFF  }
0xad: {  	[dreg:$0x0] =	wrdreg $0x60  }
0xae: {  	[dreg:$0x2] =	wrdreg s24  }
0xaf: {  	[dreg:$0x3] =	wrdreg $0x57800  }
0xb0: {  	[dreg:$0x4] =	wrdreg $0x9  }
0xb1: {  	_ =	task.clear_ibuf [dreg:s6], $0x5FFFF;
	_ =	strace $0x90000046  }
0xb2: {  	s29 =	simm.s32 $0x9;
	_ =	strace $0x80000048  }
0xb3: {  	_ =	swait.ge [sflag:s29], $0x1  }
0xb4: {  	[sflag:s29] =	ssyncadd.s32 $0xFFFFFFFF  }
0xb5: {  	_ =	strace $0x90000048  }
0xb6: {  	_ =	sfence  }
0xb7: {  	s30 =	sld [smem:$0x0];
	_ =	sdelay $0x2  }
0xb8: {  	s31 =	sshll.u32 s1, $0xD;
	s1 =	sshrl.u32 s1, $0x2  }
0xb9: {  	s3 =	sand.u32 $0x4000, s31;
	s1 =	sadd.s32 s1, s30  }
0xba: {  	s0 =	sor.u32 s3, s0;
	s1 =	sshll.u32 s1, $0x11  }
0xbb: {  	s0 =	sor.u32 s1, s0  }
0xbc: {  	s0 =	sadd.s32 $0x8F2B, s0  }
0xbd: {  	[sflag:s0] =	ssyncadd.remote.s32 $0x1  }
0xbe: {  	_ =	sfence.sel $0xFFFF  }
0xbf: {  	[dreg:$0x0] =	wrdreg $0xFFFFFFFF;
	(pc) =	sbr.abs _section_cstart, $3  }
0xc0: {  	[dreg:$0x1] =	wrdreg $0xFFFFFFFF  }
0xc1: {  	_ =	task.clear_ibuf [dreg:s6], $0x2FFFF;
	_ =	strace $0x9FFFFFFF  }
0xc2: {  	(tm) =	ssettm $0x7FFFFFFF  }
0xc3: {  	_ =	shalt  }
tec
execute0_lowered:
.L_overlay_start_1:
0x0: {  	(tag) =	ssettag $0x1  }
0x1: {  	s1 =	srdreg.scid;
	s4 =	rddreg [dreg:$0x0]  }
0x2: {  	s0 =	stileid.u32;
	s2 =	rddreg [dreg:$0x1];
	s3 =	simm.s32 $0x0  }
0x3: {  	s10 =	simm.s32 $0x80;
	s11 =	simm.s32 $0x2800;
	s5 =	sand.u32 $0x1, s1  }
0x4: {  	s6 =	smul.u32 $0x2780, s0;
	s7 =	sshll.u32 s0, $0x1;
	s1 =	rddreg [dreg:$0x2]  }
0x5: {  	[smem:$0x7FF] =	sst s3;
	s12 =	sshll.u32 s0, $0x6;
	s8 =	smul.u32 $0x27800, s5  }
0x6: {  	s7 =	sor.u32 s5, s7;
	_ =	strace $0x80000047;
	s5 =	ssub.s32 $0x2, s5  }
0x7: {  	s7 =	smul.u32 $0x500, s7;
	s31 =	sshrl.u32 s5, $0x1;
	s8 =	sadd.s32 s6, s8  }
0x8: {  	s12 =	sor.u32 $0x1C01, s12;
	s9 =	ssub.s32 s5, s31;
	s8 =	sshrl.u32 s8, $0x3  }
0x9: {  	s7 =	sadd.s32 s7, s4;
	s8 =	sadd.s32 s8, s4;
	s4 =	sadd.s32 s6, s2  }
0xa: {  	s5 =	sadd.s32 $0x1A00, s7;
	s7 =	smax.u32 s9, $0x1;
	s9 =	simm.s32 $0x1  }
0xb: {  	v0 =	vimm.f32 $1.000000000e+00;
	v1 =	vimm.f32 $0.0e+00;
	s6 =	sadd.s32 $0xBA00, s8;
	s8 =	simm.s32 $0x3000;
	s13 =	sshrl.u32 s4, $0x3  }
.LBB2_1:
0xc: {  	s14 =	simm.s32 $0x0  }
.LBB2_2:
0xd: {  	p0 =	sne.s32 s14, $0x1FC0  }
.Ltmp0:
0xe: {  	_ = 	snop;
	(pc) =	sbr.rel @p0 .LBB2_2-.Ltmp0, $3  }
0xf: {  	_ =	sdelay $0x1  }
0x10: {  	s15 =	sshra.s32 s14, $0x2  }
0x11: {  	s14 =	sadd.s32 $0x40, s14;
	[tilespmem:s15+$0x2800] =	vst v0  }
0x12: {  	s14 =	simm.s32 $0x40;
	s15 =	simm.s32 $0x0  }
.LBB2_4:
0x13: {  	p0 =	sne.s32 s14, $0x9DC0;
	[tilespmem:s15+$0x3000] =	vst v1;
	s15 =	smov.u32 s14;
	s14 =	sadd.s32 $0x40, s14  }
.Ltmp1:
0x14: {  	(pc) =	sbr.rel @p0 .LBB2_4-.Ltmp1, $2  }
0x15: {  	_ =	sdelay $0x2  }
0x16: {  	s15 =	sshra.s32 s15, $0x2  }
0x17: {  	[tilespmem:s15+$0x3000] =	vst v1  }
0x18: {  	[spmem:s4] =	stream.linear.scatter [tilespmem:s8], [sflag:$0x1], $0x2780, $0x38;
	[tilespmem:$0x7F00] =	vst v63  }
0x19: {  	_ =	swait.ge [sflag:s9], $0x2780  }
0x1a: {  	[sflag:s9] =	ssyncset.done $0x0  }
0x1b: {  	[sflag:s9] =	ssyncadd.s32 $0xFFFFD880  }
0x1c: {  	s14 =	simm.s32 $0x0;
	[bflag:$0x0] =	sbarrier.arrive $0xFFFF  }
0x1d: {  	[tilespmem:s14], [sflag:$0x1] =	stream.linear.gather [hbm4b:s5+s14], $0x2800, $0x38;
	[tilespmem:$0x7F00] =	vst v63  }
0x1e: {  	_ =	swait.ge [sflag:s9], $0x2800  }
0x1f: {  	[sflag:s9] =	ssyncset.done $0x0  }
0x20: {  	s31 =	simm.s32 $0x0;
	[sflag:s9] =	ssyncadd.s32 $0xFFFFD800  }
0x21: {  	[spmem:s2] =	stream.indirect.scatter.add.f32 [tilespmem:s11], [sflag:$0x1], $0x10, s31, s10, $0xb8;
	[tilespmem:$0x7F00] =	vst v63  }
0x22: {  	_ =	swait.ge [sflag:s9], $0x800  }
0x23: {  	s14 =	simm.s32 $0x200;
	[sflag:s9] =	ssyncset.done $0x0  }
.LBB2_6:
0x24: {  	s15 =	sshra.s32 s14, $0x2;
	[sflag:s9] =	ssyncadd.s32 $0xFFFFF800;
	p0 =	sne.s32 s14, $0x9E00  }
0x25: {  	[spmem:s2] =	stream.indirect.scatter.add.f32 [tilespmem:s11], [sflag:$0x1], $0x10, s15, s10, $0xb8;
	[tilespmem:$0x7F00] =	vst v63  }
.Ltmp2:
0x26: {  	_ = 	snop;
	(pc) =	sbr.rel @p0 .LBB2_6-.Ltmp2, $4  }
0x27: {  	_ = 	snop  }
0x28: {  	s14 =	sadd.s32 $0x200, s14  }
0x29: {  	_ =	swait.ge [sflag:s9], $0x800  }
0x2a: {  	[sflag:s9] =	ssyncset.done $0x0  }
0x2b: {  	s3 =	sadd.s32 $0x1, s3  }
0x2c: {  	[sflag:s9] =	ssyncadd.s32 $0xFFFFF800;
	p0 =	sne.s32 s3, s7  }
.Ltmp3:
0x2d: {  	[bflag:$0x0] =	sbarrier.arrive $0xFFFF;
	(pc) =	sbr.rel @p0 .LBB2_1-.Ltmp3, $4  }
0x2e: {  	[hbm:s6], [sflag:s12] =	dma.local [spmem:s13], $0x4F0  }
0x2f: {  	_ =	swait.ge [sflag:s9], $0x4F0  }
0x30: {  	[sflag:s9] =	ssyncset.done $0x0  }
0x31: {  	[sflag:s9] =	ssyncadd.s32 $0xFFFFFB10  }
0x32: {  	_ =	sfence.sel $0x180000  }
0x33: {  	[bflag:$0x0] =	sbarrier.arrive $0xFFFF  }
0x34: {  	p0 =	sne.s32 s0, $0x0;
	_ =	strace $0x90000047  }
0x35: {  	s0 =	sadd.s32 @!p0 $0x100000, s1;
	[bflag:$0x2] =	sbarrier.arrive $0xFFFF  }
0x36: {  	[sflag:s0] =	ssyncadd.tile.s32 @!p0 $0x1;
	_ =	shalt  }
.Lfunc_end2:
_tile_overlayer_lowered:
.L_overlay_start_2:
0x37: {  	(tag) =	ssettag $0x2  }
0x38: {  	s0 =	rddreg [dreg:$0x0];
	s2 =	stileid.u32  }
0x39: {  	s1 =	rddreg [dreg:$0x1];
	p0 =	sne.s32 s2, $0x0  }
0x3a: {  	s3 =	rddreg [dreg:$0x2];
	[bflag:$0x3] =	sbarrier.arrive $0xFFFF;
	s2 =	simm.s32 @!p0 $0x1C01  }
0x3b: {  	[timem:s3], [sflag:s2] =	dma.local @!p0 [hbm:s0], s1  }
0x3c: {  	s0 =	simm.s32 @!p0 $0x1  }
0x3d: {  	_ =	swait.ge @!p0 [sflag:s0], s1  }
0x3e: {  	s1 =	ssub.s32 @!p0 $0x0, s1;
	[sflag:s0] =	ssyncset.done @!p0 $0x0  }
0x3f: {  	[sflag:s0] =	ssyncadd.s32 @!p0 s1  }
0x40: {  	[bflag:$0x3] =	sbarrier.arrive $0xFFFF  }
0x41: {  	_ =	shalt  }

</sc_bundles>
